<compile_context>
chip_gen: v7x
topology: tpu7x:2x2x1
jax: 0.10.2.dev20260603
libtpu: 0.0.44.dev20260713+nightly
codegen_flags: <defaults>
</compile_context>

<pallas_src>
import functools

import jax
import jax.numpy as jnp
from jax import lax
from jax.experimental import pallas as pl
from jax.experimental.pallas import tpu as pltpu
from jax.experimental.pallas import tpu_sc as plsc

MASK_INFTY_APPROX = 1e30

_MM_BF16 = True


def _mm(a, b, dims):
    if _MM_BF16:
        a = a.astype(jnp.bfloat16)
        b = b.astype(jnp.bfloat16)
    return lax.dot_general(a, b, (dims, ((), ())),
                           preferred_element_type=jnp.float32)


def _prep_body(x_ref, g_ref, b_ref, wq_ref, wk_ref, wv_ref, wg_ref,
               xu_ref, xv_ref, ph_ref,
               qe_ref, k_ref, v_ref, gate_ref, *, H, DK, DV):
    x = x_ref[...]
    mu = jnp.mean(x, axis=1, keepdims=True)
    xc = x - mu
    var = jnp.mean(xc * xc, axis=1, keepdims=True)
    xt = xc * lax.rsqrt(var + 1e-6) * g_ref[...] + b_ref[...]
    tau = DK ** 0.5
    q = _mm(xt, wq_ref[...], ((1,), (0,)))
    k = _mm(xt, wk_ref[...], ((1,), (0,)))
    v = _mm(xt, wv_ref[...], ((1,), (0,)))
    g = _mm(xt, wg_ref[...], ((1,), (0,)))
    gate = g * (1.0 / (1.0 + jnp.exp(-g)))
    ph = ph_ref[...]
    F = DK // 2
    sin_l = ph[:, :F]
    cos_l = ph[:, F:]
    for h in range(H):
        qh = q[:, h * DK:(h + 1) * DK]
        m = jnp.mean(qh, axis=1, keepdims=True)
        qhc = qh - m
        vv = jnp.mean(qhc * qhc, axis=1, keepdims=True)
        qh = qhc * lax.rsqrt(vv + 1e-6) * (1.0 / tau)
        kh = k[:, h * DK:(h + 1) * DK]
        m = jnp.mean(kh, axis=1, keepdims=True)
        khc = kh - m
        vv = jnp.mean(khc * khc, axis=1, keepdims=True)
        kh = khc * lax.rsqrt(vv + 1e-6)
        qu = qh + xu_ref[h][None, :]
        qv = qh + xv_ref[h][None, :]
        qs = qv[:, :F]
        qc = qv[:, F:]
        A = qs * sin_l + qc * cos_l
        B = qc * sin_l - qs * cos_l
        qe_ref[h] = jnp.concatenate([qu, A, B], axis=1)
        k_ref[h] = kh
        v_ref[h] = v[:, h * DV:(h + 1) * DV]
        gate_ref[h] = gate[:, h * DV:(h + 1) * DV]


def _vq_body(k_ref, c_ref, mask_ref, maskT_ref,
             z_ref, mv_ref, loss_ref, *, S, BS, NSB):
    h = pl.program_id(0)
    sb = pl.program_id(1)
    k = k_ref[0]
    c = c_ref[0]
    csq = jnp.sum(c * c, axis=1, keepdims=True)
    csq_hi = csq.astype(jnp.bfloat16).astype(jnp.float32)
    csq_lo = csq - csq_hi
    cext = jnp.concatenate([c * -2.0, csq_hi, csq_lo], axis=1)
    ones = jnp.ones_like(k[:, :1])
    kext = jnp.concatenate([k, ones, ones], axis=1)
    dist = _mm(cext, kext, ((1,), (1,)))
    bmin = jnp.min(dist, axis=0, keepdims=True)
    row = lax.broadcasted_iota(jnp.int32, dist.shape, 0)
    barg = jnp.min(jnp.where(dist == bmin, row, S), axis=0, keepdims=True)
    barg = barg + (sb * BS + h * S)

    @pl.when(sb == 0)
    def _():
        mv_ref[0] = bmin
        z_ref[0] = barg

    @pl.when(sb > 0)
    def _():
        cur = mv_ref[0]
        upd = bmin < cur
        mv_ref[0] = jnp.where(upd, bmin, cur)
        z_ref[0] = jnp.where(upd, barg, z_ref[0])

    @pl.when(sb == NSB - 1)
    def _():
        ksq_mask = jnp.sum((k * k) * maskT_ref[...])
        total = ksq_mask + jnp.sum(mask_ref[...] * mv_ref[0])
        loss_ref[0] = jnp.broadcast_to(total, loss_ref.shape[1:])


def _attn_body(x_ref, qe_ref, kh_ref, p_ref, v_ref, gate_ref, wres_ref,
               out_ref, *, DK, DV, NLB, BL):
    h = pl.program_id(1)
    lb = pl.program_id(0)
    qe = qe_ref[0]
    qu = qe[:, :DK]
    qt = qe[:, DK:]

    def chunk(j, carry):
        m_run, s_run, acc = carry
        kh = kh_ref[0, pl.ds(j * BL, BL), :]
        pm = p_ref[pl.ds(j * BL, BL), :]
        s = _mm(qu, kh, ((1,), (1,)))
        s += _mm(qt, pm, ((1,), (1,)))
        rows = lb * BL + lax.broadcasted_iota(jnp.int32, s.shape, 0)
        cols = j * BL + lax.broadcasted_iota(jnp.int32, s.shape, 1)
        s = jnp.where(cols <= rows, s, -MASK_INFTY_APPROX)
        m_new = jnp.maximum(m_run, jnp.max(s, axis=1, keepdims=True))
        alpha = jnp.exp(m_run - m_new)
        e = jnp.exp(s - m_new)
        s_run = s_run * alpha + jnp.sum(e, axis=1, keepdims=True)
        acc = acc * alpha + _mm(e, v_ref[0, pl.ds(j * BL, BL), :],
                                ((1,), (0,)))
        return m_new, s_run, acc

    carry0 = (jnp.full((BL, 1), -MASK_INFTY_APPROX, jnp.float32),
              jnp.zeros((BL, 1), jnp.float32),
              jnp.zeros((BL, DV), jnp.float32))
    m_run, s_run, acc = lax.fori_loop(0, lb + 1, chunk, carry0)
    wv = acc / s_run
    o = wv * gate_ref[0]
    contrib = _mm(o, wres_ref[0], ((1,), (0,)))

    @pl.when(h == 0)
    def _():
        out_ref[...] = x_ref[...] + contrib

    @pl.when(h > 0)
    def _():
        out_ref[...] += contrib


def _sc_gather(table, idx, BTOT, D):
    info = plsc.get_sparse_core_info()
    NW = info.num_cores * info.num_subcores
    b_per_w = BTOT // NW
    mesh = plsc.VectorSubcoreMesh(core_axis_name="c", subcore_axis_name="s")

    @functools.partial(
        pl.kernel, mesh=mesh,
        out_type=jax.ShapeDtypeStruct((BTOT, D), jnp.float32),
        compiler_params=pltpu.CompilerParams(use_tc_tiling_on_sc=False),
        scratch_types=[
            pltpu.VMEM((b_per_w,), jnp.int32),
            pltpu.VMEM((b_per_w, D), jnp.float32),
            pltpu.SemaphoreType.DMA,
        ],
    )
    def gk(table_hbm, idx_hbm, out_hbm, idx_v, rows_v, sem):
        wid = lax.axis_index("s") * info.num_cores + lax.axis_index("c")
        base = wid * b_per_w
        pltpu.sync_copy(idx_hbm.at[pl.ds(base, b_per_w)], idx_v)
        pltpu.async_copy(table_hbm.at[idx_v], rows_v, sem).wait()
        pltpu.sync_copy(rows_v, out_hbm.at[pl.ds(base, b_per_w)])

    return gk(table, idx)


def kernel(input_features, doc_ids, loss_mask, ln_g, ln_b, W_q, W_k, W_v,
           W_g, W_res, xl_u, xl_v, codebook):
    B, L, D = input_features.shape
    H, S, DK = codebook.shape
    DV = W_v.shape[1] // H
    x = input_features[0]

    F = DK // 2
    inv = 1.0 / (10000.0 ** (jnp.arange(0, DK, 2).astype(jnp.float32) / DK))
    ang = jnp.arange(L, dtype=jnp.float32)[:, None] * inv[None, :]
    sin_l = jnp.sin(ang)
    cos_l = jnp.cos(ang)
    ph = jnp.concatenate([sin_l, cos_l], axis=1)
    P = jnp.concatenate([cos_l, sin_l], axis=1)

    BL = 256
    NLB = L // BL

    qe, k, v, gate = pl.pallas_call(
        functools.partial(_prep_body, H=H, DK=DK, DV=DV),
        grid=(NLB,),
        in_specs=[
            pl.BlockSpec((BL, D), lambda i: (i, 0)),
            pl.BlockSpec((1, D), lambda i: (0, 0)),
            pl.BlockSpec((1, D), lambda i: (0, 0)),
            pl.BlockSpec((D, H * DK), lambda i: (0, 0)),
            pl.BlockSpec((D, H * DK), lambda i: (0, 0)),
            pl.BlockSpec((D, H * DV), lambda i: (0, 0)),
            pl.BlockSpec((D, H * DV), lambda i: (0, 0)),
            pl.BlockSpec((H, DK), lambda i: (0, 0)),
            pl.BlockSpec((H, DK), lambda i: (0, 0)),
            pl.BlockSpec((BL, DK), lambda i: (i, 0)),
        ],
        out_specs=[
            pl.BlockSpec((H, BL, 2 * DK), lambda i: (0, i, 0)),
            pl.BlockSpec((H, BL, DK), lambda i: (0, i, 0)),
            pl.BlockSpec((H, BL, DV), lambda i: (0, i, 0)),
            pl.BlockSpec((H, BL, DV), lambda i: (0, i, 0)),
        ],
        out_shape=[
            jax.ShapeDtypeStruct((H, L, 2 * DK), jnp.float32),
            jax.ShapeDtypeStruct((H, L, DK), jnp.float32),
            jax.ShapeDtypeStruct((H, L, DV), jnp.float32),
            jax.ShapeDtypeStruct((H, L, DV), jnp.float32),
        ],
    )(x, ln_g[None, :], ln_b[None, :], W_q, W_k, W_v, W_g, xl_u, xl_v, ph)

    BS = 512
    NSB = S // BS
    mask = loss_mask[0][None, :]
    maskT = loss_mask[0][:, None]
    z, mv, lossp = pl.pallas_call(
        functools.partial(_vq_body, S=S, BS=BS, NSB=NSB),
        grid=(H, NSB),
        in_specs=[
            pl.BlockSpec((1, L, DK), lambda h, s: (h, 0, 0)),
            pl.BlockSpec((1, BS, DK), lambda h, s: (h, s, 0)),
            pl.BlockSpec((1, L), lambda h, s: (0, 0)),
            pl.BlockSpec((L, 1), lambda h, s: (0, 0)),
        ],
        out_specs=[
            pl.BlockSpec((1, 1, L), lambda h, s: (h, 0, 0)),
            pl.BlockSpec((1, 1, L), lambda h, s: (h, 0, 0)),
            pl.BlockSpec((1, 1, 128), lambda h, s: (h, 0, 0)),
        ],
        out_shape=[
            jax.ShapeDtypeStruct((H, 1, L), jnp.int32),
            jax.ShapeDtypeStruct((H, 1, L), jnp.float32),
            jax.ShapeDtypeStruct((H, 1, 128), jnp.float32),
        ],
    )(k, codebook, mask, maskT)

    loss = jnp.sum(lossp[:, 0, 0]) / (B * H * L)

    k_hat = _sc_gather(codebook.reshape(H * S, DK), z.reshape(H * L),
                       H * L, DK)
    k_hat = k_hat.reshape(H, L, DK)

    out = pl.pallas_call(
        functools.partial(_attn_body, DK=DK, DV=DV, NLB=NLB, BL=BL),
        grid=(NLB, H),
        in_specs=[
            pl.BlockSpec((BL, D), lambda i, h: (i, 0)),
            pl.BlockSpec((1, BL, 2 * DK), lambda i, h: (h, i, 0)),
            pl.BlockSpec((1, L, DK), lambda i, h: (h, 0, 0)),
            pl.BlockSpec((L, DK), lambda i, h: (0, 0)),
            pl.BlockSpec((1, L, DV), lambda i, h: (h, 0, 0)),
            pl.BlockSpec((1, BL, DV), lambda i, h: (h, i, 0)),
            pl.BlockSpec((1, DV, D), lambda i, h: (h, 0, 0)),
        ],
        out_specs=pl.BlockSpec((BL, D), lambda i, h: (i, 0)),
        out_shape=jax.ShapeDtypeStruct((L, D), jnp.float32),
    )(x, qe, k_hat, P, v, gate, W_res.reshape(H, DV, D))

    return out[None], loss, loss

# --- scband reference (transcript-rebuilt; emitter-appended) ---
"""Pipeline reference for scband-vqattention-32074815767248 (READ-ONLY COPY).

The authoritative reference and input builder live on the scoring server;
editing this copy changes nothing except your own understanding.
"""

import jax, jax.numpy as jnp
import numpy as np

B, L, D = 1, 2048, 768
H, DK, DV = 12, 64, 64
S = 8192
MASK_INFTY_APPROX = 1e30

def _layer_norm(x, g, b):
    mu = jnp.mean(x, axis=-1, keepdims=True)
    var = jnp.var(x, axis=-1, keepdims=True)
    return (x - mu) * jax.lax.rsqrt(var + 1e-6) * g + b

def _head_ln(x):
    mu = jnp.mean(x, axis=-1, keepdims=True)
    var = jnp.var(x, axis=-1, keepdims=True)
    return (x - mu) * jax.lax.rsqrt(var + 1e-6)

def _sinusoid(length, d):
    pos = jnp.arange(length - 1, -1, -1).astype(jnp.float32)
    inv = 1.0 / (10000.0 ** (jnp.arange(0, d, 2).astype(jnp.float32) / d))
    ang = pos[:, None] * inv[None, :]
    return jnp.concatenate([jnp.sin(ang), jnp.cos(ang)], axis=-1)

def _rel_shift(x):
    b, h, l, w = x.shape
    x = jnp.pad(x, ((0, 0), (0, 0), (0, 0), (1, 0)))
    x = x.reshape(b, h, w + 1, l)[:, :, 1:, :].reshape(b, h, l, w)
    return x

def setup_inputs(seed: int = 0):
    key = jax.random.key(seed)
    ks = jax.random.split(key, 10)
    inp = {}
    inp["input_features"] = jax.random.normal(ks[0], (B, L, D), dtype=jnp.float32)
    inp["doc_ids"] = jax.random.randint(ks[1], (B, L), 0, 4)
    inp["loss_mask"] = jnp.ones((B, L), dtype=jnp.float32)
    inp["ln_g"] = jnp.ones((D,), dtype=jnp.float32)
    inp["ln_b"] = jnp.zeros((D,), dtype=jnp.float32)
    inp["W_q"] = 0.02 * jax.random.normal(ks[2], (D, H * DK), dtype=jnp.float32)
    inp["W_k"] = 0.02 * jax.random.normal(ks[3], (D, H * DK), dtype=jnp.float32)
    inp["W_v"] = 0.02 * jax.random.normal(ks[4], (D, H * DV), dtype=jnp.float32)
    inp["W_g"] = 0.02 * jax.random.normal(ks[5], (D, H * DV), dtype=jnp.float32)
    inp["W_res"] = 0.02 * jax.random.normal(ks[6], (H * DV, D), dtype=jnp.float32)
    inp["xl_u"] = 0.02 * jax.random.normal(ks[7], (H, DK), dtype=jnp.float32)
    inp["xl_v"] = 0.02 * jax.random.normal(ks[8], (H, DK), dtype=jnp.float32)
    inp["codebook"] = jax.random.normal(ks[9], (H, S, DK), dtype=jnp.float32)
    return inp

def reference(input_features, doc_ids, loss_mask, ln_g, ln_b, W_q, W_k, W_v, W_g, W_res, xl_u, xl_v, codebook):
    b, l, d = input_features.shape
    h, s, dk = codebook.shape
    tau = dk ** 0.5
    x_t = _layer_norm(input_features, ln_g, ln_b)
    q = (x_t @ W_q).reshape(b, l, h, dk).transpose(0, 2, 1, 3)
    k = (x_t @ W_k).reshape(b, l, h, dk).transpose(0, 2, 1, 3)
    v = (x_t @ W_v).reshape(b, l, h, -1).transpose(0, 2, 1, 3)
    gate = jax.nn.silu(x_t @ W_g)
    q = _head_ln(q) / tau
    k = _head_ln(k)
    # vector-quantize keys against per-head codebook (LearnableVQ)
    dots = jnp.einsum("bhlk,hsk->bhls", k, codebook)
    c_sq = jnp.sum(codebook * codebook, axis=-1)
    dist = jax.lax.stop_gradient(c_sq[None, :, None, :] - 2.0 * dots)
    z = jnp.argmin(dist, axis=-1)  # shortcodes [B,H,L]
    k_hat_raw = codebook[jnp.arange(h)[None, :, None], z]  # gather [B,H,L,DK]
    k_hat = k + jax.lax.stop_gradient(k_hat_raw - k)  # straight-through
    mask_w = loss_mask[:, None, :]
    l_commit = jnp.sum(mask_w * jnp.sum((k - jax.lax.stop_gradient(k_hat_raw)) ** 2, axis=-1)) / (b * h * l)
    l_codebook = jnp.sum(mask_w * jnp.sum((jax.lax.stop_gradient(k) - k_hat_raw) ** 2, axis=-1)) / (b * h * l)
    # transformer-XL style attention with quantized keys
    q_u = q + xl_u[None, :, None, :]
    q_v = q + xl_v[None, :, None, :]
    scores_ac = jnp.einsum("bhlk,bhmk->bhlm", q_u, k_hat)
    r = _sinusoid(l, dk)
    scores_bd = _rel_shift(jnp.einsum("bhlk,wk->bhlw", q_v, r))
    scores = scores_ac + scores_bd
    causal = jnp.tril(jnp.ones((l, l), dtype=bool))
    scores = jnp.where(causal[None, None, :, :], scores, -MASK_INFTY_APPROX)
    a = jax.nn.softmax(scores, axis=-1)
    wv = jnp.einsum("bhlm,bhmv->bhlv", a, v)
    wv = wv.transpose(0, 2, 1, 3).reshape(b, l, -1)
    o = wv * gate
    res = o @ W_res
    out = input_features + res
    return (out, l_commit, l_codebook)

if __name__ == "__main__":
    import jax
    _d = setup_inputs()
    print(jax.jit(kernel)(*tuple(_d.values())))

</pallas_src>

<mosaic_0001>
#map = affine_map<(d0, d1) -> (0, 0)>
#map1 = affine_map<(d0, d1) -> (0)>
module attributes {stable_mosaic.version = 14 : i64} {
  func.func @gk(%arg0: i32, %arg1: i32, %arg2: memref<98304x64xf32, #tpu.memory_space<hbm>>, %arg3: memref<24576xi32, #tpu.memory_space<hbm>>, %arg4: memref<24576x64xf32, #tpu.memory_space<hbm>>, %arg5: memref<768xi32, #tpu.memory_space<vmem>>, %arg6: memref<768x64xf32, #tpu.memory_space<vmem>>, %arg7: memref<!tpu.dma_semaphore, #tpu.memory_space<semaphore_mem>>) attributes {dimension_semantics = [#tpu.dimension_semantics<core_parallel>, #tpu.dimension_semantics<subcore_parallel>], iteration_bounds = array<i64: 2, 16>, scalar_prefetch = 0 : i64, scratch_operands = 3 : i64, tpu.core_type = #tpu.core_type<sc_vector_subcore>, window_params = [{transform_indices = #map}, {transform_indices = #map1}, {transform_indices = #map}]} {
    %mul3A = arith.constant 2 : i32
    %mul3A_0 = arith.muli %arg1, %mul3A : i32
    %add3A = arith.addi %mul3A_0, %arg0 : i32
    %mul3A_1 = arith.constant 768 : i32
    %mul3A_2 = arith.muli %add3A, %mul3A_1 : i32
    "tpu.region"() ({
      %run_scoped3A = tpu.sem_alloc : memref<!tpu.dma_semaphore, #tpu.memory_space<semaphore_mem>>
      %dma_start3A_7 = tpu.memref_slice %arg3[%mul3A_2] : memref<24576xi32, #tpu.memory_space<hbm>> -> memref<768xi32, #tpu.memory_space<hbm>>
      %dma_start3A_8 = tpu.memref_slice %arg3[%mul3A_2] : memref<24576xi32, #tpu.memory_space<hbm>> -> memref<768xi32, #tpu.memory_space<hbm>>
      tpu.enqueue_dma source(%dma_start3A_8 : memref<768xi32, #tpu.memory_space<hbm>>) target(%arg5 : memref<768xi32, #tpu.memory_space<vmem>>) target_semaphore(%run_scoped3A : memref<!tpu.dma_semaphore, #tpu.memory_space<semaphore_mem>>)
      %dma_wait3A_9 = tpu.memref_slice %arg3[%mul3A_2] : memref<24576xi32, #tpu.memory_space<hbm>> -> memref<768xi32, #tpu.memory_space<hbm>>
      %dma_wait3A_10 = tpu.memref_slice %arg3[%mul3A_2] : memref<24576xi32, #tpu.memory_space<hbm>> -> memref<768xi32, #tpu.memory_space<hbm>>
      tpu.wait_dma2 semaphore(%run_scoped3A : memref<!tpu.dma_semaphore, #tpu.memory_space<semaphore_mem>>) src(%dma_wait3A_10 : memref<768xi32, #tpu.memory_space<hbm>>) dst(%arg5 : memref<768xi32, #tpu.memory_space<vmem>>)
      tpu.yield
    }) : () -> ()
    %dma_start3A = arith.constant 0 : i32
    %dma_start3A_3 = arith.constant 0 : i32
    %dma_start3A_4 = tpu.memref_slice %arg2[%dma_start3A, %dma_start3A_3] : memref<98304x64xf32, #tpu.memory_space<hbm>> -> memref<98304x64xf32, #tpu.memory_space<hbm>>
    tpu.enqueue_indirect_dma source(%dma_start3A_4 : memref<98304x64xf32, #tpu.memory_space<hbm>>) target(%arg6 : memref<768x64xf32, #tpu.memory_space<vmem>>) offsets(%arg5 : memref<768xi32, #tpu.memory_space<vmem>>) semaphore(%arg7 : memref<!tpu.dma_semaphore, #tpu.memory_space<semaphore_mem>>)
    %dma_wait3A = arith.constant 0 : i32
    %dma_wait3A_5 = arith.constant 0 : i32
    %dma_wait3A_6 = tpu.memref_slice %arg2[%dma_wait3A, %dma_wait3A_5] : memref<98304x64xf32, #tpu.memory_space<hbm>> -> memref<98304x64xf32, #tpu.memory_space<hbm>>
    tpu.wait_indirect_dma semaphore(%arg7 : memref<!tpu.dma_semaphore, #tpu.memory_space<semaphore_mem>>) src(%dma_wait3A_6 : memref<98304x64xf32, #tpu.memory_space<hbm>>) dst(%arg6 : memref<768x64xf32, #tpu.memory_space<vmem>>)
    "tpu.region"() ({
      %run_scoped3A = tpu.sem_alloc : memref<!tpu.dma_semaphore, #tpu.memory_space<semaphore_mem>>
      %dma_start3A_7 = arith.constant 0 : i32
      %dma_start3A_8 = tpu.memref_slice %arg4[%mul3A_2, %dma_start3A_7] : memref<24576x64xf32, #tpu.memory_space<hbm>> -> memref<768x64xf32, #tpu.memory_space<hbm>>
      %dma_start3A_9 = arith.constant 0 : i32
      %dma_start3A_10 = tpu.memref_slice %arg4[%mul3A_2, %dma_start3A_9] : memref<24576x64xf32, #tpu.memory_space<hbm>> -> memref<768x64xf32, #tpu.memory_space<hbm>>
      tpu.enqueue_dma source(%arg6 : memref<768x64xf32, #tpu.memory_space<vmem>>) target(%dma_start3A_10 : memref<768x64xf32, #tpu.memory_space<hbm>>) target_semaphore(%run_scoped3A : memref<!tpu.dma_semaphore, #tpu.memory_space<semaphore_mem>>)
      %dma_wait3A_11 = arith.constant 0 : i32
      %dma_wait3A_12 = tpu.memref_slice %arg4[%mul3A_2, %dma_wait3A_11] : memref<24576x64xf32, #tpu.memory_space<hbm>> -> memref<768x64xf32, #tpu.memory_space<hbm>>
      %dma_wait3A_13 = arith.constant 0 : i32
      %dma_wait3A_14 = tpu.memref_slice %arg4[%mul3A_2, %dma_wait3A_13] : memref<24576x64xf32, #tpu.memory_space<hbm>> -> memref<768x64xf32, #tpu.memory_space<hbm>>
      tpu.wait_dma2 semaphore(%run_scoped3A : memref<!tpu.dma_semaphore, #tpu.memory_space<semaphore_mem>>) src(%arg6 : memref<768x64xf32, #tpu.memory_space<vmem>>) dst(%dma_wait3A_14 : memref<768x64xf32, #tpu.memory_space<hbm>>)
      tpu.yield
    }) : () -> ()
    return
  }
}

module attributes {stable_mosaic.version = 14 : i64} {
  func.func @_prep_body(%arg0: i32, %arg1: memref<256x768xf32, #tpu.memory_space<vmem>>, %arg2: memref<1x768xf32, #tpu.memory_space<vmem>>, %arg3: memref<1x768xf32, #tpu.memory_space<vmem>>, %arg4: memref<768x768xf32, #tpu.memory_space<vmem>>, %arg5: memref<768x768xf32, #tpu.memory_space<vmem>>, %arg6: memref<768x768xf32, #tpu.memory_space<vmem>>, %arg7: memref<768x768xf32, #tpu.memory_space<vmem>>, %arg8: memref<12x64xf32, #tpu.memory_space<vmem>>, %arg9: memref<12x64xf32, #tpu.memory_space<vmem>>, %arg10: memref<256x64xf32, #tpu.memory_space<vmem>>, %arg11: memref<12x256x128xf32, #tpu.memory_space<vmem>>, %arg12: memref<12x256x64xf32, #tpu.memory_space<vmem>>, %arg13: memref<12x256x64xf32, #tpu.memory_space<vmem>>, %arg14: memref<12x256x64xf32, #tpu.memory_space<vmem>>) attributes {dimension_semantics = [#tpu.dimension_semantics<arbitrary>], iteration_bounds = array<i64: 8>, scalar_prefetch = 0 : i64, scratch_operands = 0 : i64, tpu.core_type = #tpu.core_type<tc>, window_params = [{transform_indices = @transform_0, window_bounds = array<i64: 256, 768>}, {pipeline_mode = #tpu.pipeline_mode<synchronous>, transform_indices = @transform_1, window_bounds = array<i64: 1, 768>}, {pipeline_mode = #tpu.pipeline_mode<synchronous>, transform_indices = @transform_2, window_bounds = array<i64: 1, 768>}, {pipeline_mode = #tpu.pipeline_mode<synchronous>, transform_indices = @transform_3, window_bounds = array<i64: 768, 768>}, {pipeline_mode = #tpu.pipeline_mode<synchronous>, transform_indices = @transform_4, window_bounds = array<i64: 768, 768>}, {pipeline_mode = #tpu.pipeline_mode<synchronous>, transform_indices = @transform_5, window_bounds = array<i64: 768, 768>}, {pipeline_mode = #tpu.pipeline_mode<synchronous>, transform_indices = @transform_6, window_bounds = array<i64: 768, 768>}, {pipeline_mode = #tpu.pipeline_mode<synchronous>, transform_indices = @transform_7, window_bounds = array<i64: 12, 64>}, {pipeline_mode = #tpu.pipeline_mode<synchronous>, transform_indices = @transform_8, window_bounds = array<i64: 12, 64>}, {transform_indices = @transform_9, window_bounds = array<i64: 256, 64>}, {transform_indices = @transform_10, window_bounds = array<i64: 12, 256, 128>}, {transform_indices = @transform_11, window_bounds = array<i64: 12, 256, 64>}, {transform_indices = @transform_12, window_bounds = array<i64: 12, 256, 64>}, {transform_indices = @transform_13, window_bounds = array<i64: 12, 256, 64>}]} {
    %get3A = arith.constant 0 : index
    %get3A_0 = arith.constant 0 : index
    %get3A_1 = vector.load %arg1[%get3A, %get3A_0] : memref<256x768xf32, #tpu.memory_space<vmem>>, vector<256x768xf32>
    %reduce_sum3A = arith.constant dense<0.000000e+00> : vector<256xf32>
    %reduce_sum3A_2 = vector.multi_reduction <add>, %get3A_1, %reduce_sum3A [1] : vector<256x768xf32> to vector<256xf32>
    %broadcast_in_dim3A = vector.shape_cast %reduce_sum3A_2 : vector<256xf32> to vector<256x1xf32>
    %div3A = arith.constant 7.680000e+02 : f32
    %div3A_3 = vector.broadcast %div3A : f32 to vector<256x1xf32>
    %div3A_4 = arith.divf %broadcast_in_dim3A, %div3A_3 : vector<256x1xf32>
    %sub3A = vector.broadcast %div3A_4 : vector<256x1xf32> to vector<256x768xf32>
    %sub3A_5 = arith.subf %get3A_1, %sub3A : vector<256x768xf32>
    %mul3A = arith.mulf %sub3A_5, %sub3A_5 : vector<256x768xf32>
    %reduce_sum3A_6 = arith.constant dense<0.000000e+00> : vector<256xf32>
    %reduce_sum3A_7 = vector.multi_reduction <add>, %mul3A, %reduce_sum3A_6 [1] : vector<256x768xf32> to vector<256xf32>
    %broadcast_in_dim3A_8 = vector.shape_cast %reduce_sum3A_7 : vector<256xf32> to vector<256x1xf32>
    %div3A_9 = arith.constant 7.680000e+02 : f32
    %div3A_10 = vector.broadcast %div3A_9 : f32 to vector<256x1xf32>
    %div3A_11 = arith.divf %broadcast_in_dim3A_8, %div3A_10 : vector<256x1xf32>
    %add3A = arith.constant 9.99999997E-7 : f32
    %add3A_12 = vector.broadcast %add3A : f32 to vector<256x1xf32>
    %add3A_13 = arith.addf %div3A_11, %add3A_12 : vector<256x1xf32>
    %rsqrt3A = math.rsqrt %add3A_13 : vector<256x1xf32>
    %mul3A_14 = vector.broadcast %rsqrt3A : vector<256x1xf32> to vector<256x768xf32>
    %mul3A_15 = arith.mulf %sub3A_5, %mul3A_14 : vector<256x768xf32>
    %get3A_16 = arith.constant 0 : index
    %get3A_17 = arith.constant 0 : index
    %get3A_18 = vector.load %arg2[%get3A_16, %get3A_17] : memref<1x768xf32, #tpu.memory_space<vmem>>, vector<1x768xf32>
    %mul3A_19 = vector.broadcast %get3A_18 : vector<1x768xf32> to vector<256x768xf32>
    %mul3A_20 = arith.mulf %mul3A_15, %mul3A_19 : vector<256x768xf32>
    %get3A_21 = arith.constant 0 : index
    %get3A_22 = arith.constant 0 : index
    %get3A_23 = vector.load %arg3[%get3A_21, %get3A_22] : memref<1x768xf32, #tpu.memory_space<vmem>>, vector<1x768xf32>
    %add3A_24 = vector.broadcast %get3A_23 : vector<1x768xf32> to vector<256x768xf32>
    %add3A_25 = arith.addf %mul3A_20, %add3A_24 : vector<256x768xf32>
    %get3A_26 = arith.constant 0 : index
    %get3A_27 = arith.constant 0 : index
    %get3A_28 = vector.load %arg4[%get3A_26, %get3A_27] : memref<768x768xf32, #tpu.memory_space<vmem>>, vector<768x768xf32>
    %convert_element_type3A = arith.truncf %add3A_25 : vector<256x768xf32> to vector<256x768xbf16>
    %convert_element_type3A_29 = arith.truncf %get3A_28 : vector<768x768xf32> to vector<768x768xbf16>
    %dot_general3A = arith.constant dense<0.000000e+00> : vector<256x768xf32>
    %dot_general3A_30 = tpu.matmul %convert_element_type3A, %convert_element_type3A_29, %dot_general3A {dimension_numbers = #tpu.dot_dimension_numbers<[1], [0], [0], [1], [0, 0, 1, 1], [], []>, transpose_lhs_hint = false} : vector<256x768xbf16>, vector<768x768xbf16>, vector<256x768xf32> -> vector<256x768xf32>
    %get3A_31 = arith.constant 0 : index
    %get3A_32 = arith.constant 0 : index
    %get3A_33 = vector.load %arg5[%get3A_31, %get3A_32] : memref<768x768xf32, #tpu.memory_space<vmem>>, vector<768x768xf32>
    %convert_element_type3A_34 = arith.truncf %add3A_25 : vector<256x768xf32> to vector<256x768xbf16>
    %convert_element_type3A_35 = arith.truncf %get3A_33 : vector<768x768xf32> to vector<768x768xbf16>
    %dot_general3A_36 = arith.constant dense<0.000000e+00> : vector<256x768xf32>
    %dot_general3A_37 = tpu.matmul %convert_element_type3A_34, %convert_element_type3A_35, %dot_general3A_36 {dimension_numbers = #tpu.dot_dimension_numbers<[1], [0], [0], [1], [0, 0, 1, 1], [], []>, transpose_lhs_hint = false} : vector<256x768xbf16>, vector<768x768xbf16>, vector<256x768xf32> -> vector<256x768xf32>
    %get3A_38 = arith.constant 0 : index
    %get3A_39 = arith.constant 0 : index
    %get3A_40 = vector.load %arg6[%get3A_38, %get3A_39] : memref<768x768xf32, #tpu.memory_space<vmem>>, vector<768x768xf32>
    %convert_element_type3A_41 = arith.truncf %add3A_25 : vector<256x768xf32> to vector<256x768xbf16>
    %convert_element_type3A_42 = arith.truncf %get3A_40 : vector<768x768xf32> to vector<768x768xbf16>
    %dot_general3A_43 = arith.constant dense<0.000000e+00> : vector<256x768xf32>
    %dot_general3A_44 = tpu.matmul %convert_element_type3A_41, %convert_element_type3A_42, %dot_general3A_43 {dimension_numbers = #tpu.dot_dimension_numbers<[1], [0], [0], [1], [0, 0, 1, 1], [], []>, transpose_lhs_hint = false} : vector<256x768xbf16>, vector<768x768xbf16>, vector<256x768xf32> -> vector<256x768xf32>
    %get3A_45 = arith.constant 0 : index
    %get3A_46 = arith.constant 0 : index
    %get3A_47 = vector.load %arg7[%get3A_45, %get3A_46] : memref<768x768xf32, #tpu.memory_space<vmem>>, vector<768x768xf32>
    %convert_element_type3A_48 = arith.truncf %add3A_25 : vector<256x768xf32> to vector<256x768xbf16>
    %convert_element_type3A_49 = arith.truncf %get3A_47 : vector<768x768xf32> to vector<768x768xbf16>
    %dot_general3A_50 = arith.constant dense<0.000000e+00> : vector<256x768xf32>
    %dot_general3A_51 = tpu.matmul %convert_element_type3A_48, %convert_element_type3A_49, %dot_general3A_50 {dimension_numbers = #tpu.dot_dimension_numbers<[1], [0], [0], [1], [0, 0, 1, 1], [], []>, transpose_lhs_hint = false} : vector<256x768xbf16>, vector<768x768xbf16>, vector<256x768xf32> -> vector<256x768xf32>
    %neg3A = arith.constant 0.000000e+00 : f32
    %neg3A_52 = vector.broadcast %neg3A : f32 to vector<256x768xf32>
    %neg3A_53 = arith.subf %neg3A_52, %dot_general3A_51 : vector<256x768xf32>
    %exp3A = math.exp %neg3A_53 : vector<256x768xf32>
    %add3A_54 = arith.constant 1.000000e+00 : f32
    %add3A_55 = vector.broadcast %add3A_54 : f32 to vector<256x768xf32>
    %add3A_56 = arith.addf %add3A_55, %exp3A : vector<256x768xf32>
    %div3A_57 = arith.constant 1.000000e+00 : f32
    %div3A_58 = vector.broadcast %div3A_57 : f32 to vector<256x768xf32>
    %div3A_59 = arith.divf %div3A_58, %add3A_56 : vector<256x768xf32>
    %mul3A_60 = arith.mulf %dot_general3A_51, %div3A_59 : vector<256x768xf32>
    %get3A_61 = arith.constant 0 : index
    %get3A_62 = arith.constant 0 : index
    %get3A_63 = vector.load %arg10[%get3A_61, %get3A_62] : memref<256x64xf32, #tpu.memory_space<vmem>>, vector<256x64xf32>
    %slice3A = vector.extract_strided_slice %get3A_63 {offsets = [0, 0], sizes = [256, 32], strides = [1, 1]} : vector<256x64xf32> to vector<256x32xf32>
    %slice3A_64 = vector.extract_strided_slice %get3A_63 {offsets = [0, 32], sizes = [256, 32], strides = [1, 1]} : vector<256x64xf32> to vector<256x32xf32>
    %slice3A_65 = vector.extract_strided_slice %dot_general3A_30 {offsets = [0, 0], sizes = [256, 64], strides = [1, 1]} : vector<256x768xf32> to vector<256x64xf32>
    %reduce_sum3A_66 = arith.constant dense<0.000000e+00> : vector<256xf32>
    %reduce_sum3A_67 = vector.multi_reduction <add>, %slice3A_65, %reduce_sum3A_66 [1] : vector<256x64xf32> to vector<256xf32>
    %broadcast_in_dim3A_68 = vector.shape_cast %reduce_sum3A_67 : vector<256xf32> to vector<256x1xf32>
    %div3A_69 = arith.constant 6.400000e+01 : f32
    %div3A_70 = vector.broadcast %div3A_69 : f32 to vector<256x1xf32>
    %div3A_71 = arith.divf %broadcast_in_dim3A_68, %div3A_70 : vector<256x1xf32>
    %sub3A_72 = vector.broadcast %div3A_71 : vector<256x1xf32> to vector<256x64xf32>
    %sub3A_73 = arith.subf %slice3A_65, %sub3A_72 : vector<256x64xf32>
    %mul3A_74 = arith.mulf %sub3A_73, %sub3A_73 : vector<256x64xf32>
    %reduce_sum3A_75 = arith.constant dense<0.000000e+00> : vector<256xf32>
    %reduce_sum3A_76 = vector.multi_reduction <add>, %mul3A_74, %reduce_sum3A_75 [1] : vector<256x64xf32> to vector<256xf32>
    %broadcast_in_dim3A_77 = vector.shape_cast %reduce_sum3A_76 : vector<256xf32> to vector<256x1xf32>
    %div3A_78 = arith.constant 6.400000e+01 : f32
    %div3A_79 = vector.broadcast %div3A_78 : f32 to vector<256x1xf32>
    %div3A_80 = arith.divf %broadcast_in_dim3A_77, %div3A_79 : vector<256x1xf32>
    %add3A_81 = arith.constant 9.99999997E-7 : f32
    %add3A_82 = vector.broadcast %add3A_81 : f32 to vector<256x1xf32>
    %add3A_83 = arith.addf %div3A_80, %add3A_82 : vector<256x1xf32>
    %rsqrt3A_84 = math.rsqrt %add3A_83 : vector<256x1xf32>
    %mul3A_85 = vector.broadcast %rsqrt3A_84 : vector<256x1xf32> to vector<256x64xf32>
    %mul3A_86 = arith.mulf %sub3A_73, %mul3A_85 : vector<256x64xf32>
    %mul3A_87 = arith.constant 1.250000e-01 : f32
    %mul3A_88 = vector.broadcast %mul3A_87 : f32 to vector<256x64xf32>
    %mul3A_89 = arith.mulf %mul3A_86, %mul3A_88 : vector<256x64xf32>
    %slice3A_90 = vector.extract_strided_slice %dot_general3A_37 {offsets = [0, 0], sizes = [256, 64], strides = [1, 1]} : vector<256x768xf32> to vector<256x64xf32>
    %reduce_sum3A_91 = arith.constant dense<0.000000e+00> : vector<256xf32>
    %reduce_sum3A_92 = vector.multi_reduction <add>, %slice3A_90, %reduce_sum3A_91 [1] : vector<256x64xf32> to vector<256xf32>
    %broadcast_in_dim3A_93 = vector.shape_cast %reduce_sum3A_92 : vector<256xf32> to vector<256x1xf32>
    %div3A_94 = arith.constant 6.400000e+01 : f32
    %div3A_95 = vector.broadcast %div3A_94 : f32 to vector<256x1xf32>
    %div3A_96 = arith.divf %broadcast_in_dim3A_93, %div3A_95 : vector<256x1xf32>
    %sub3A_97 = vector.broadcast %div3A_96 : vector<256x1xf32> to vector<256x64xf32>
    %sub3A_98 = arith.subf %slice3A_90, %sub3A_97 : vector<256x64xf32>
    %mul3A_99 = arith.mulf %sub3A_98, %sub3A_98 : vector<256x64xf32>
    %reduce_sum3A_100 = arith.constant dense<0.000000e+00> : vector<256xf32>
    %reduce_sum3A_101 = vector.multi_reduction <add>, %mul3A_99, %reduce_sum3A_100 [1] : vector<256x64xf32> to vector<256xf32>
    %broadcast_in_dim3A_102 = vector.shape_cast %reduce_sum3A_101 : vector<256xf32> to vector<256x1xf32>
    %div3A_103 = arith.constant 6.400000e+01 : f32
    %div3A_104 = vector.broadcast %div3A_103 : f32 to vector<256x1xf32>
    %div3A_105 = arith.divf %broadcast_in_dim3A_102, %div3A_104 : vector<256x1xf32>
    %add3A_106 = arith.constant 9.99999997E-7 : f32
    %add3A_107 = vector.broadcast %add3A_106 : f32 to vector<256x1xf32>
    %add3A_108 = arith.addf %div3A_105, %add3A_107 : vector<256x1xf32>
    %rsqrt3A_109 = math.rsqrt %add3A_108 : vector<256x1xf32>
    %mul3A_110 = vector.broadcast %rsqrt3A_109 : vector<256x1xf32> to vector<256x64xf32>
    %mul3A_111 = arith.mulf %sub3A_98, %mul3A_110 : vector<256x64xf32>
    %get3A_112 = arith.constant 0 : index
    %get3A_113 = arith.constant 0 : index
    %get3A_114 = vector.load %arg8[%get3A_112, %get3A_113] : memref<12x64xf32, #tpu.memory_space<vmem>>, vector<1x64xf32>
    %get3A_115 = vector.shape_cast %get3A_114 : vector<1x64xf32> to vector<64xf32>
    %broadcast_in_dim3A_116 = vector.shape_cast %get3A_115 : vector<64xf32> to vector<1x64xf32>
    %add3A_117 = vector.broadcast %broadcast_in_dim3A_116 : vector<1x64xf32> to vector<256x64xf32>
    %add3A_118 = arith.addf %mul3A_89, %add3A_117 : vector<256x64xf32>
    %get3A_119 = arith.constant 0 : index
    %get3A_120 = arith.constant 0 : index
    %get3A_121 = vector.load %arg9[%get3A_119, %get3A_120] : memref<12x64xf32, #tpu.memory_space<vmem>>, vector<1x64xf32>
    %get3A_122 = vector.shape_cast %get3A_121 : vector<1x64xf32> to vector<64xf32>
    %broadcast_in_dim3A_123 = vector.shape_cast %get3A_122 : vector<64xf32> to vector<1x64xf32>
    %add3A_124 = vector.broadcast %broadcast_in_dim3A_123 : vector<1x64xf32> to vector<256x64xf32>
    %add3A_125 = arith.addf %mul3A_89, %add3A_124 : vector<256x64xf32>
    %slice3A_126 = vector.extract_strided_slice %add3A_125 {offsets = [0, 0], sizes = [256, 32], strides = [1, 1]} : vector<256x64xf32> to vector<256x32xf32>
    %slice3A_127 = vector.extract_strided_slice %add3A_125 {offsets = [0, 32], sizes = [256, 32], strides = [1, 1]} : vector<256x64xf32> to vector<256x32xf32>
    %mul3A_128 = arith.mulf %slice3A_126, %slice3A : vector<256x32xf32>
    %mul3A_129 = arith.mulf %slice3A_127, %slice3A_64 : vector<256x32xf32>
    %add3A_130 = arith.addf %mul3A_128, %mul3A_129 : vector<256x32xf32>
    %mul3A_131 = arith.mulf %slice3A_127, %slice3A : vector<256x32xf32>
    %mul3A_132 = arith.mulf %slice3A_126, %slice3A_64 : vector<256x32xf32>
    %sub3A_133 = arith.subf %mul3A_131, %mul3A_132 : vector<256x32xf32>
    %concatenate3A = tpu.concatenate %add3A_118, %add3A_130, %sub3A_133 in 1 : vector<256x64xf32>, vector<256x32xf32>, vector<256x32xf32> -> vector<256x128xf32>
    %swap3A = arith.constant 0 : index
    %swap3A_134 = arith.constant 0 : index
    %swap3A_135 = arith.constant 0 : index
    %swap3A_136 = vector.load %arg11[%swap3A, %swap3A_134, %swap3A_135] : memref<12x256x128xf32, #tpu.memory_space<vmem>>, vector<1x256x128xf32>
    %swap3A_137 = vector.shape_cast %swap3A_136 : vector<1x256x128xf32> to vector<256x128xf32>
    %swap3A_138 = vector.shape_cast %concatenate3A : vector<256x128xf32> to vector<1x256x128xf32>
    tpu.vector_store %arg11[%swap3A, %swap3A_134, %swap3A_135], %swap3A_138 {strides = array<i32>} : memref<12x256x128xf32, #tpu.memory_space<vmem>>, vector<1x256x128xf32>,
    %swap3A_139 = arith.constant 0 : index
    %swap3A_140 = arith.constant 0 : index
    %swap3A_141 = arith.constant 0 : index
    %swap3A_142 = vector.load %arg12[%swap3A_139, %swap3A_140, %swap3A_141] : memref<12x256x64xf32, #tpu.memory_space<vmem>>, vector<1x256x64xf32>
    %swap3A_143 = vector.shape_cast %swap3A_142 : vector<1x256x64xf32> to vector<256x64xf32>
    %swap3A_144 = vector.shape_cast %mul3A_111 : vector<256x64xf32> to vector<1x256x64xf32>
    tpu.vector_store %arg12[%swap3A_139, %swap3A_140, %swap3A_141], %swap3A_144 {strides = array<i32>} : memref<12x256x64xf32, #tpu.memory_space<vmem>>, vector<1x256x64xf32>,
    %slice3A_145 = vector.extract_strided_slice %dot_general3A_44 {offsets = [0, 0], sizes = [256, 64], strides = [1, 1]} : vector<256x768xf32> to vector<256x64xf32>
    %swap3A_146 = arith.constant 0 : index
    %swap3A_147 = arith.constant 0 : index
    %swap3A_148 = arith.constant 0 : index
    %swap3A_149 = vector.load %arg13[%swap3A_146, %swap3A_147, %swap3A_148] : memref<12x256x64xf32, #tpu.memory_space<vmem>>, vector<1x256x64xf32>
    %swap3A_150 = vector.shape_cast %swap3A_149 : vector<1x256x64xf32> to vector<256x64xf32>
    %swap3A_151 = vector.shape_cast %slice3A_145 : vector<256x64xf32> to vector<1x256x64xf32>
    tpu.vector_store %arg13[%swap3A_146, %swap3A_147, %swap3A_148], %swap3A_151 {strides = array<i32>} : memref<12x256x64xf32, #tpu.memory_space<vmem>>, vector<1x256x64xf32>,
    %slice3A_152 = vector.extract_strided_slice %mul3A_60 {offsets = [0, 0], sizes = [256, 64], strides = [1, 1]} : vector<256x768xf32> to vector<256x64xf32>
    %swap3A_153 = arith.constant 0 : index
    %swap3A_154 = arith.constant 0 : index
    %swap3A_155 = arith.constant 0 : index
    %swap3A_156 = vector.load %arg14[%swap3A_153, %swap3A_154, %swap3A_155] : memref<12x256x64xf32, #tpu.memory_space<vmem>>, vector<1x256x64xf32>
    %swap3A_157 = vector.shape_cast %swap3A_156 : vector<1x256x64xf32> to vector<256x64xf32>
    %swap3A_158 = vector.shape_cast %slice3A_152 : vector<256x64xf32> to vector<1x256x64xf32>
    tpu.vector_store %arg14[%swap3A_153, %swap3A_154, %swap3A_155], %swap3A_158 {strides = array<i32>} : memref<12x256x64xf32, #tpu.memory_space<vmem>>, vector<1x256x64xf32>,
    %slice3A_159 = vector.extract_strided_slice %dot_general3A_30 {offsets = [0, 64], sizes = [256, 64], strides = [1, 1]} : vector<256x768xf32> to vector<256x64xf32>
    %reduce_sum3A_160 = arith.constant dense<0.000000e+00> : vector<256xf32>
    %reduce_sum3A_161 = vector.multi_reduction <add>, %slice3A_159, %reduce_sum3A_160 [1] : vector<256x64xf32> to vector<256xf32>
    %broadcast_in_dim3A_162 = vector.shape_cast %reduce_sum3A_161 : vector<256xf32> to vector<256x1xf32>
    %div3A_163 = arith.constant 6.400000e+01 : f32
    %div3A_164 = vector.broadcast %div3A_163 : f32 to vector<256x1xf32>
    %div3A_165 = arith.divf %broadcast_in_dim3A_162, %div3A_164 : vector<256x1xf32>
    %sub3A_166 = vector.broadcast %div3A_165 : vector<256x1xf32> to vector<256x64xf32>
    %sub3A_167 = arith.subf %slice3A_159, %sub3A_166 : vector<256x64xf32>
    %mul3A_168 = arith.mulf %sub3A_167, %sub3A_167 : vector<256x64xf32>
    %reduce_sum3A_169 = arith.constant dense<0.000000e+00> : vector<256xf32>
    %reduce_sum3A_170 = vector.multi_reduction <add>, %mul3A_168, %reduce_sum3A_169 [1] : vector<256x64xf32> to vector<256xf32>
    %broadcast_in_dim3A_171 = vector.shape_cast %reduce_sum3A_170 : vector<256xf32> to vector<256x1xf32>
    %div3A_172 = arith.constant 6.400000e+01 : f32
    %div3A_173 = vector.broadcast %div3A_172 : f32 to vector<256x1xf32>
    %div3A_174 = arith.divf %broadcast_in_dim3A_171, %div3A_173 : vector<256x1xf32>
    %add3A_175 = arith.constant 9.99999997E-7 : f32
    %add3A_176 = vector.broadcast %add3A_175 : f32 to vector<256x1xf32>
    %add3A_177 = arith.addf %div3A_174, %add3A_176 : vector<256x1xf32>
    %rsqrt3A_178 = math.rsqrt %add3A_177 : vector<256x1xf32>
    %mul3A_179 = vector.broadcast %rsqrt3A_178 : vector<256x1xf32> to vector<256x64xf32>
    %mul3A_180 = arith.mulf %sub3A_167, %mul3A_179 : vector<256x64xf32>
    %mul3A_181 = arith.constant 1.250000e-01 : f32
    %mul3A_182 = vector.broadcast %mul3A_181 : f32 to vector<256x64xf32>
    %mul3A_183 = arith.mulf %mul3A_180, %mul3A_182 : vector<256x64xf32>
    %slice3A_184 = vector.extract_strided_slice %dot_general3A_37 {offsets = [0, 64], sizes = [256, 64], strides = [1, 1]} : vector<256x768xf32> to vector<256x64xf32>
    %reduce_sum3A_185 = arith.constant dense<0.000000e+00> : vector<256xf32>
    %reduce_sum3A_186 = vector.multi_reduction <add>, %slice3A_184, %reduce_sum3A_185 [1] : vector<256x64xf32> to vector<256xf32>
    %broadcast_in_dim3A_187 = vector.shape_cast %reduce_sum3A_186 : vector<256xf32> to vector<256x1xf32>
    %div3A_188 = arith.constant 6.400000e+01 : f32
    %div3A_189 = vector.broadcast %div3A_188 : f32 to vector<256x1xf32>
    %div3A_190 = arith.divf %broadcast_in_dim3A_187, %div3A_189 : vector<256x1xf32>
    %sub3A_191 = vector.broadcast %div3A_190 : vector<256x1xf32> to vector<256x64xf32>
    %sub3A_192 = arith.subf %slice3A_184, %sub3A_191 : vector<256x64xf32>
    %mul3A_193 = arith.mulf %sub3A_192, %sub3A_192 : vector<256x64xf32>
    %reduce_sum3A_194 = arith.constant dense<0.000000e+00> : vector<256xf32>
    %reduce_sum3A_195 = vector.multi_reduction <add>, %mul3A_193, %reduce_sum3A_194 [1] : vector<256x64xf32> to vector<256xf32>
    %broadcast_in_dim3A_196 = vector.shape_cast %reduce_sum3A_195 : vector<256xf32> to vector<256x1xf32>
    %div3A_197 = arith.constant 6.400000e+01 : f32
    %div3A_198 = vector.broadcast %div3A_197 : f32 to vector<256x1xf32>
    %div3A_199 = arith.divf %broadcast_in_dim3A_196, %div3A_198 : vector<256x1xf32>
    %add3A_200 = arith.constant 9.99999997E-7 : f32
    %add3A_201 = vector.broadcast %add3A_200 : f32 to vector<256x1xf32>
    %add3A_202 = arith.addf %div3A_199, %add3A_201 : vector<256x1xf32>
    %rsqrt3A_203 = math.rsqrt %add3A_202 : vector<256x1xf32>
    %mul3A_204 = vector.broadcast %rsqrt3A_203 : vector<256x1xf32> to vector<256x64xf32>
    %mul3A_205 = arith.mulf %sub3A_192, %mul3A_204 : vector<256x64xf32>
    %get3A_206 = arith.constant 1 : index
    %get3A_207 = arith.constant 0 : index
    %get3A_208 = vector.load %arg8[%get3A_206, %get3A_207] : memref<12x64xf32, #tpu.memory_space<vmem>>, vector<1x64xf32>
    %get3A_209 = vector.shape_cast %get3A_208 : vector<1x64xf32> to vector<64xf32>
    %broadcast_in_dim3A_210 = vector.shape_cast %get3A_209 : vector<64xf32> to vector<1x64xf32>
    %add3A_211 = vector.broadcast %broadcast_in_dim3A_210 : vector<1x64xf32> to vector<256x64xf32>
    %add3A_212 = arith.addf %mul3A_183, %add3A_211 : vector<256x64xf32>
    %get3A_213 = arith.constant 1 : index
    %get3A_214 = arith.constant 0 : index
    %get3A_215 = vector.load %arg9[%get3A_213, %get3A_214] : memref<12x64xf32, #tpu.memory_space<vmem>>, vector<1x64xf32>
    %get3A_216 = vector.shape_cast %get3A_215 : vector<1x64xf32> to vector<64xf32>
    %broadcast_in_dim3A_217 = vector.shape_cast %get3A_216 : vector<64xf32> to vector<1x64xf32>
    %add3A_218 = vector.broadcast %broadcast_in_dim3A_217 : vector<1x64xf32> to vector<256x64xf32>
    %add3A_219 = arith.addf %mul3A_183, %add3A_218 : vector<256x64xf32>
    %slice3A_220 = vector.extract_strided_slice %add3A_219 {offsets = [0, 0], sizes = [256, 32], strides = [1, 1]} : vector<256x64xf32> to vector<256x32xf32>
    %slice3A_221 = vector.extract_strided_slice %add3A_219 {offsets = [0, 32], sizes = [256, 32], strides = [1, 1]} : vector<256x64xf32> to vector<256x32xf32>
    %mul3A_222 = arith.mulf %slice3A_220, %slice3A : vector<256x32xf32>
    %mul3A_223 = arith.mulf %slice3A_221, %slice3A_64 : vector<256x32xf32>
    %add3A_224 = arith.addf %mul3A_222, %mul3A_223 : vector<256x32xf32>
    %mul3A_225 = arith.mulf %slice3A_221, %slice3A : vector<256x32xf32>
    %mul3A_226 = arith.mulf %slice3A_220, %slice3A_64 : vector<256x32xf32>
    %sub3A_227 = arith.subf %mul3A_225, %mul3A_226 : vector<256x32xf32>
    %concatenate3A_228 = tpu.concatenate %add3A_212, %add3A_224, %sub3A_227 in 1 : vector<256x64xf32>, vector<256x32xf32>, vector<256x32xf32> -> vector<256x128xf32>
    %swap3A_229 = arith.constant 1 : index
    %swap3A_230 = arith.constant 0 : index
    %swap3A_231 = arith.constant 0 : index
    %swap3A_232 = vector.load %arg11[%swap3A_229, %swap3A_230, %swap3A_231] : memref<12x256x128xf32, #tpu.memory_space<vmem>>, vector<1x256x128xf32>
    %swap3A_233 = vector.shape_cast %swap3A_232 : vector<1x256x128xf32> to vector<256x128xf32>
    %swap3A_234 = vector.shape_cast %concatenate3A_228 : vector<256x128xf32> to vector<1x256x128xf32>
    tpu.vector_store %arg11[%swap3A_229, %swap3A_230, %swap3A_231], %swap3A_234 {strides = array<i32>} : memref<12x256x128xf32, #tpu.memory_space<vmem>>, vector<1x256x128xf32>,
    %swap3A_235 = arith.constant 1 : index
    %swap3A_236 = arith.constant 0 : index
    %swap3A_237 = arith.constant 0 : index
    %swap3A_238 = vector.load %arg12[%swap3A_235, %swap3A_236, %swap3A_237] : memref<12x256x64xf32, #tpu.memory_space<vmem>>, vector<1x256x64xf32>
    %swap3A_239 = vector.shape_cast %swap3A_238 : vector<1x256x64xf32> to vector<256x64xf32>
    %swap3A_240 = vector.shape_cast %mul3A_205 : vector<256x64xf32> to vector<1x256x64xf32>
    tpu.vector_store %arg12[%swap3A_235, %swap3A_236, %swap3A_237], %swap3A_240 {strides = array<i32>} : memref<12x256x64xf32, #tpu.memory_space<vmem>>, vector<1x256x64xf32>,
    %slice3A_241 = vector.extract_strided_slice %dot_general3A_44 {offsets = [0, 64], sizes = [256, 64], strides = [1, 1]} : vector<256x768xf32> to vector<256x64xf32>
    %swap3A_242 = arith.constant 1 : index
    %swap3A_243 = arith.constant 0 : index
    %swap3A_244 = arith.constant 0 : index
    %swap3A_245 = vector.load %arg13[%swap3A_242, %swap3A_243, %swap3A_244] : memref<12x256x64xf32, #tpu.memory_space<vmem>>, vector<1x256x64xf32>
    %swap3A_246 = vector.shape_cast %swap3A_245 : vector<1x256x64xf32> to vector<256x64xf32>
    %swap3A_247 = vector.shape_cast %slice3A_241 : vector<256x64xf32> to vector<1x256x64xf32>
    tpu.vector_store %arg13[%swap3A_242, %swap3A_243, %swap3A_244], %swap3A_247 {strides = array<i32>} : memref<12x256x64xf32, #tpu.memory_space<vmem>>, vector<1x256x64xf32>,
    %slice3A_248 = vector.extract_strided_slice %mul3A_60 {offsets = [0, 64], sizes = [256, 64], strides = [1, 1]} : vector<256x768xf32> to vector<256x64xf32>
    %swap3A_249 = arith.constant 1 : index
    %swap3A_250 = arith.constant 0 : index
    %swap3A_251 = arith.constant 0 : index
    %swap3A_252 = vector.load %arg14[%swap3A_249, %swap3A_250, %swap3A_251] : memref<12x256x64xf32, #tpu.memory_space<vmem>>, vector<1x256x64xf32>
    %swap3A_253 = vector.shape_cast %swap3A_252 : vector<1x256x64xf32> to vector<256x64xf32>
    %swap3A_254 = vector.shape_cast %slice3A_248 : vector<256x64xf32> to vector<1x256x64xf32>
    tpu.vector_store %arg14[%swap3A_249, %swap3A_250, %swap3A_251], %swap3A_254 {strides = array<i32>} : memref<12x256x64xf32, #tpu.memory_space<vmem>>, vector<1x256x64xf32>,
    %slice3A_255 = vector.extract_strided_slice %dot_general3A_30 {offsets = [0, 128], sizes = [256, 64], strides = [1, 1]} : vector<256x768xf32> to vector<256x64xf32>
    %reduce_sum3A_256 = arith.constant dense<0.000000e+00> : vector<256xf32>
    %reduce_sum3A_257 = vector.multi_reduction <add>, %slice3A_255, %reduce_sum3A_256 [1] : vector<256x64xf32> to vector<256xf32>
    %broadcast_in_dim3A_258 = vector.shape_cast %reduce_sum3A_257 : vector<256xf32> to vector<256x1xf32>
    %div3A_259 = arith.constant 6.400000e+01 : f32
    %div3A_260 = vector.broadcast %div3A_259 : f32 to vector<256x1xf32>
    %div3A_261 = arith.divf %broadcast_in_dim3A_258, %div3A_260 : vector<256x1xf32>
    %sub3A_262 = vector.broadcast %div3A_261 : vector<256x1xf32> to vector<256x64xf32>
    %sub3A_263 = arith.subf %slice3A_255, %sub3A_262 : vector<256x64xf32>
    %mul3A_264 = arith.mulf %sub3A_263, %sub3A_263 : vector<256x64xf32>
    %reduce_sum3A_265 = arith.constant dense<0.000000e+00> : vector<256xf32>
    %reduce_sum3A_266 = vector.multi_reduction <add>, %mul3A_264, %reduce_sum3A_265 [1] : vector<256x64xf32> to vector<256xf32>
    %broadcast_in_dim3A_267 = vector.shape_cast %reduce_sum3A_266 : vector<256xf32> to vector<256x1xf32>
    %div3A_268 = arith.constant 6.400000e+01 : f32
    %div3A_269 = vector.broadcast %div3A_268 : f32 to vector<256x1xf32>
    %div3A_270 = arith.divf %broadcast_in_dim3A_267, %div3A_269 : vector<256x1xf32>
    %add3A_271 = arith.constant 9.99999997E-7 : f32
    %add3A_272 = vector.broadcast %add3A_271 : f32 to vector<256x1xf32>
    %add3A_273 = arith.addf %div3A_270, %add3A_272 : vector<256x1xf32>
    %rsqrt3A_274 = math.rsqrt %add3A_273 : vector<256x1xf32>
    %mul3A_275 = vector.broadcast %rsqrt3A_274 : vector<256x1xf32> to vector<256x64xf32>
    %mul3A_276 = arith.mulf %sub3A_263, %mul3A_275 : vector<256x64xf32>
    %mul3A_277 = arith.constant 1.250000e-01 : f32
    %mul3A_278 = vector.broadcast %mul3A_277 : f32 to vector<256x64xf32>
    %mul3A_279 = arith.mulf %mul3A_276, %mul3A_278 : vector<256x64xf32>
    %slice3A_280 = vector.extract_strided_slice %dot_general3A_37 {offsets = [0, 128], sizes = [256, 64], strides = [1, 1]} : vector<256x768xf32> to vector<256x64xf32>
    %reduce_sum3A_281 = arith.constant dense<0.000000e+00> : vector<256xf32>
    %reduce_sum3A_282 = vector.multi_reduction <add>, %slice3A_280, %reduce_sum3A_281 [1] : vector<256x64xf32> to vector<256xf32>
    %broadcast_in_dim3A_283 = vector.shape_cast %reduce_sum3A_282 : vector<256xf32> to vector<256x1xf32>
    %div3A_284 = arith.constant 6.400000e+01 : f32
    %div3A_285 = vector.broadcast %div3A_284 : f32 to vector<256x1xf32>
    %div3A_286 = arith.divf %broadcast_in_dim3A_283, %div3A_285 : vector<256x1xf32>
    %sub3A_287 = vector.broadcast %div3A_286 : vector<256x1xf32> to vector<256x64xf32>
    %sub3A_288 = arith.subf %slice3A_280, %sub3A_287 : vector<256x64xf32>
    %mul3A_289 = arith.mulf %sub3A_288, %sub3A_288 : vector<256x64xf32>
    %reduce_sum3A_290 = arith.constant dense<0.000000e+00> : vector<256xf32>
    %reduce_sum3A_291 = vector.multi_reduction <add>, %mul3A_289, %reduce_sum3A_290 [1] : vector<256x64xf32> to vector<256xf32>
    %broadcast_in_dim3A_292 = vector.shape_cast %reduce_sum3A_291 : vector<256xf32> to vector<256x1xf32>
    %div3A_293 = arith.constant 6.400000e+01 : f32
    %div3A_294 = vector.broadcast %div3A_293 : f32 to vector<256x1xf32>
    %div3A_295 = arith.divf %broadcast_in_dim3A_292, %div3A_294 : vector<256x1xf32>
    %add3A_296 = arith.constant 9.99999997E-7 : f32
    %add3A_297 = vector.broadcast %add3A_296 : f32 to vector<256x1xf32>
    %add3A_298 = arith.addf %div3A_295, %add3A_297 : vector<256x1xf32>
    %rsqrt3A_299 = math.rsqrt %add3A_298 : vector<256x1xf32>
    %mul3A_300 = vector.broadcast %rsqrt3A_299 : vector<256x1xf32> to vector<256x64xf32>
    %mul3A_301 = arith.mulf %sub3A_288, %mul3A_300 : vector<256x64xf32>
    %get3A_302 = arith.constant 2 : index
    %get3A_303 = arith.constant 0 : index
    %get3A_304 = vector.load %arg8[%get3A_302, %get3A_303] : memref<12x64xf32, #tpu.memory_space<vmem>>, vector<1x64xf32>
    %get3A_305 = vector.shape_cast %get3A_304 : vector<1x64xf32> to vector<64xf32>
    %broadcast_in_dim3A_306 = vector.shape_cast %get3A_305 : vector<64xf32> to vector<1x64xf32>
    %add3A_307 = vector.broadcast %broadcast_in_dim3A_306 : vector<1x64xf32> to vector<256x64xf32>
    %add3A_308 = arith.addf %mul3A_279, %add3A_307 : vector<256x64xf32>
    %get3A_309 = arith.constant 2 : index
    %get3A_310 = arith.constant 0 : index
    %get3A_311 = vector.load %arg9[%get3A_309, %get3A_310] : memref<12x64xf32, #tpu.memory_space<vmem>>, vector<1x64xf32>
    %get3A_312 = vector.shape_cast %get3A_311 : vector<1x64xf32> to vector<64xf32>
    %broadcast_in_dim3A_313 = vector.shape_cast %get3A_312 : vector<64xf32> to vector<1x64xf32>
    %add3A_314 = vector.broadcast %broadcast_in_dim3A_313 : vector<1x64xf32> to vector<256x64xf32>
    %add3A_315 = arith.addf %mul3A_279, %add3A_314 : vector<256x64xf32>
    %slice3A_316 = vector.extract_strided_slice %add3A_315 {offsets = [0, 0], sizes = [256, 32], strides = [1, 1]} : vector<256x64xf32> to vector<256x32xf32>
    %slice3A_317 = vector.extract_strided_slice %add3A_315 {offsets = [0, 32], sizes = [256, 32], strides = [1, 1]} : vector<256x64xf32> to vector<256x32xf32>
    %mul3A_318 = arith.mulf %slice3A_316, %slice3A : vector<256x32xf32>
    %mul3A_319 = arith.mulf %slice3A_317, %slice3A_64 : vector<256x32xf32>
    %add3A_320 = arith.addf %mul3A_318, %mul3A_319 : vector<256x32xf32>
    %mul3A_321 = arith.mulf %slice3A_317, %slice3A : vector<256x32xf32>
    %mul3A_322 = arith.mulf %slice3A_316, %slice3A_64 : vector<256x32xf32>
    %sub3A_323 = arith.subf %mul3A_321, %mul3A_322 : vector<256x32xf32>
    %concatenate3A_324 = tpu.concatenate %add3A_308, %add3A_320, %sub3A_323 in 1 : vector<256x64xf32>, vector<256x32xf32>, vector<256x32xf32> -> vector<256x128xf32>
    %swap3A_325 = arith.constant 2 : index
    %swap3A_326 = arith.constant 0 : index
    %swap3A_327 = arith.constant 0 : index
    %swap3A_328 = vector.load %arg11[%swap3A_325, %swap3A_326, %swap3A_327] : memref<12x256x128xf32, #tpu.memory_space<vmem>>, vector<1x256x128xf32>
    %swap3A_329 = vector.shape_cast %swap3A_328 : vector<1x256x128xf32> to vector<256x128xf32>
    %swap3A_330 = vector.shape_cast %concatenate3A_324 : vector<256x128xf32> to vector<1x256x128xf32>
    tpu.vector_store %arg11[%swap3A_325, %swap3A_326, %swap3A_327], %swap3A_330 {strides = array<i32>} : memref<12x256x128xf32, #tpu.memory_space<vmem>>, vector<1x256x128xf32>,
    %swap3A_331 = arith.constant 2 : index
    %swap3A_332 = arith.constant 0 : index
    %swap3A_333 = arith.constant 0 : index
    %swap3A_334 = vector.load %arg12[%swap3A_331, %swap3A_332, %swap3A_333] : memref<12x256x64xf32, #tpu.memory_space<vmem>>, vector<1x256x64xf32>
    %swap3A_335 = vector.shape_cast %swap3A_334 : vector<1x256x64xf32> to vector<256x64xf32>
    %swap3A_336 = vector.shape_cast %mul3A_301 : vector<256x64xf32> to vector<1x256x64xf32>
    tpu.vector_store %arg12[%swap3A_331, %swap3A_332, %swap3A_333], %swap3A_336 {strides = array<i32>} : memref<12x256x64xf32, #tpu.memory_space<vmem>>, vector<1x256x64xf32>,
    %slice3A_337 = vector.extract_strided_slice %dot_general3A_44 {offsets = [0, 128], sizes = [256, 64], strides = [1, 1]} : vector<256x768xf32> to vector<256x64xf32>
    %swap3A_338 = arith.constant 2 : index
    %swap3A_339 = arith.constant 0 : index
    %swap3A_340 = arith.constant 0 : index
    %swap3A_341 = vector.load %arg13[%swap3A_338, %swap3A_339, %swap3A_340] : memref<12x256x64xf32, #tpu.memory_space<vmem>>, vector<1x256x64xf32>
    %swap3A_342 = vector.shape_cast %swap3A_341 : vector<1x256x64xf32> to vector<256x64xf32>
    %swap3A_343 = vector.shape_cast %slice3A_337 : vector<256x64xf32> to vector<1x256x64xf32>
    tpu.vector_store %arg13[%swap3A_338, %swap3A_339, %swap3A_340], %swap3A_343 {strides = array<i32>} : memref<12x256x64xf32, #tpu.memory_space<vmem>>, vector<1x256x64xf32>,
    %slice3A_344 = vector.extract_strided_slice %mul3A_60 {offsets = [0, 128], sizes = [256, 64], strides = [1, 1]} : vector<256x768xf32> to vector<256x64xf32>
    %swap3A_345 = arith.constant 2 : index
    %swap3A_346 = arith.constant 0 : index
    %swap3A_347 = arith.constant 0 : index
    %swap3A_348 = vector.load %arg14[%swap3A_345, %swap3A_346, %swap3A_347] : memref<12x256x64xf32, #tpu.memory_space<vmem>>, vector<1x256x64xf32>
    %swap3A_349 = vector.shape_cast %swap3A_348 : vector<1x256x64xf32> to vector<256x64xf32>
    %swap3A_350 = vector.shape_cast %slice3A_344 : vector<256x64xf32> to vector<1x256x64xf32>
    tpu.vector_store %arg14[%swap3A_345, %swap3A_346, %swap3A_347], %swap3A_350 {strides = array<i32>} : memref<12x256x64xf32, #tpu.memory_space<vmem>>, vector<1x256x64xf32>,
    %slice3A_351 = vector.extract_strided_slice %dot_general3A_30 {offsets = [0, 192], sizes = [256, 64], strides = [1, 1]} : vector<256x768xf32> to vector<256x64xf32>
    %reduce_sum3A_352 = arith.constant dense<0.000000e+00> : vector<256xf32>
    %reduce_sum3A_353 = vector.multi_reduction <add>, %slice3A_351, %reduce_sum3A_352 [1] : vector<256x64xf32> to vector<256xf32>
    %broadcast_in_dim3A_354 = vector.shape_cast %reduce_sum3A_353 : vector<256xf32> to vector<256x1xf32>
    %div3A_355 = arith.constant 6.400000e+01 : f32
    %div3A_356 = vector.broadcast %div3A_355 : f32 to vector<256x1xf32>
    %div3A_357 = arith.divf %broadcast_in_dim3A_354, %div3A_356 : vector<256x1xf32>
    %sub3A_358 = vector.broadcast %div3A_357 : vector<256x1xf32> to vector<256x64xf32>
    %sub3A_359 = arith.subf %slice3A_351, %sub3A_358 : vector<256x64xf32>
    %mul3A_360 = arith.mulf %sub3A_359, %sub3A_359 : vector<256x64xf32>
    %reduce_sum3A_361 = arith.constant dense<0.000000e+00> : vector<256xf32>
    %reduce_sum3A_362 = vector.multi_reduction <add>, %mul3A_360, %reduce_sum3A_361 [1] : vector<256x64xf32> to vector<256xf32>
    %broadcast_in_dim3A_363 = vector.shape_cast %reduce_sum3A_362 : vector<256xf32> to vector<256x1xf32>
    %div3A_364 = arith.constant 6.400000e+01 : f32
    %div3A_365 = vector.broadcast %div3A_364 : f32 to vector<256x1xf32>
    %div3A_366 = arith.divf %broadcast_in_dim3A_363, %div3A_365 : vector<256x1xf32>
    %add3A_367 = arith.constant 9.99999997E-7 : f32
    %add3A_368 = vector.broadcast %add3A_367 : f32 to vector<256x1xf32>
    %add3A_369 = arith.addf %div3A_366, %add3A_368 : vector<256x1xf32>
    %rsqrt3A_370 = math.rsqrt %add3A_369 : vector<256x1xf32>
    %mul3A_371 = vector.broadcast %rsqrt3A_370 : vector<256x1xf32> to vector<256x64xf32>
    %mul3A_372 = arith.mulf %sub3A_359, %mul3A_371 : vector<256x64xf32>
    %mul3A_373 = arith.constant 1.250000e-01 : f32
    %mul3A_374 = vector.broadcast %mul3A_373 : f32 to vector<256x64xf32>
    %mul3A_375 = arith.mulf %mul3A_372, %mul3A_374 : vector<256x64xf32>
    %slice3A_376 = vector.extract_strided_slice %dot_general3A_37 {offsets = [0, 192], sizes = [256, 64], strides = [1, 1]} : vector<256x768xf32> to vector<256x64xf32>
    %reduce_sum3A_377 = arith.constant dense<0.000000e+00> : vector<256xf32>
    %reduce_sum3A_378 = vector.multi_reduction <add>, %slice3A_376, %reduce_sum3A_377 [1] : vector<256x64xf32> to vector<256xf32>
    %broadcast_in_dim3A_379 = vector.shape_cast %reduce_sum3A_378 : vector<256xf32> to vector<256x1xf32>
    %div3A_380 = arith.constant 6.400000e+01 : f32
    %div3A_381 = vector.broadcast %div3A_380 : f32 to vector<256x1xf32>
    %div3A_382 = arith.divf %broadcast_in_dim3A_379, %div3A_381 : vector<256x1xf32>
    %sub3A_383 = vector.broadcast %div3A_382 : vector<256x1xf32> to vector<256x64xf32>
    %sub3A_384 = arith.subf %slice3A_376, %sub3A_383 : vector<256x64xf32>
    %mul3A_385 = arith.mulf %sub3A_384, %sub3A_384 : vector<256x64xf32>
    %reduce_sum3A_386 = arith.constant dense<0.000000e+00> : vector<256xf32>
    %reduce_sum3A_387 = vector.multi_reduction <add>, %mul3A_385, %reduce_sum3A_386 [1] : vector<256x64xf32> to vector<256xf32>
    %broadcast_in_dim3A_388 = vector.shape_cast %reduce_sum3A_387 : vector<256xf32> to vector<256x1xf32>
    %div3A_389 = arith.constant 6.400000e+01 : f32
    %div3A_390 = vector.broadcast %div3A_389 : f32 to vector<256x1xf32>
    %div3A_391 = arith.divf %broadcast_in_dim3A_388, %div3A_390 : vector<256x1xf32>
    %add3A_392 = arith.constant 9.99999997E-7 : f32
    %add3A_393 = vector.broadcast %add3A_392 : f32 to vector<256x1xf32>
    %add3A_394 = arith.addf %div3A_391, %add3A_393 : vector<256x1xf32>
    %rsqrt3A_395 = math.rsqrt %add3A_394 : vector<256x1xf32>
    %mul3A_396 = vector.broadcast %rsqrt3A_395 : vector<256x1xf32> to vector<256x64xf32>
    %mul3A_397 = arith.mulf %sub3A_384, %mul3A_396 : vector<256x64xf32>
    %get3A_398 = arith.constant 3 : index
    %get3A_399 = arith.constant 0 : index
    %get3A_400 = vector.load %arg8[%get3A_398, %get3A_399] : memref<12x64xf32, #tpu.memory_space<vmem>>, vector<1x64xf32>
    %get3A_401 = vector.shape_cast %get3A_400 : vector<1x64xf32> to vector<64xf32>
    %broadcast_in_dim3A_402 = vector.shape_cast %get3A_401 : vector<64xf32> to vector<1x64xf32>
    %add3A_403 = vector.broadcast %broadcast_in_dim3A_402 : vector<1x64xf32> to vector<256x64xf32>
    %add3A_404 = arith.addf %mul3A_375, %add3A_403 : vector<256x64xf32>
    %get3A_405 = arith.constant 3 : index
    %get3A_406 = arith.constant 0 : index
    %get3A_407 = vector.load %arg9[%get3A_405, %get3A_406] : memref<12x64xf32, #tpu.memory_space<vmem>>, vector<1x64xf32>
    %get3A_408 = vector.shape_cast %get3A_407 : vector<1x64xf32> to vector<64xf32>
    %broadcast_in_dim3A_409 = vector.shape_cast %get3A_408 : vector<64xf32> to vector<1x64xf32>
    %add3A_410 = vector.broadcast %broadcast_in_dim3A_409 : vector<1x64xf32> to vector<256x64xf32>
    %add3A_411 = arith.addf %mul3A_375, %add3A_410 : vector<256x64xf32>
    %slice3A_412 = vector.extract_strided_slice %add3A_411 {offsets = [0, 0], sizes = [256, 32], strides = [1, 1]} : vector<256x64xf32> to vector<256x32xf32>
    %slice3A_413 = vector.extract_strided_slice %add3A_411 {offsets = [0, 32], sizes = [256, 32], strides = [1, 1]} : vector<256x64xf32> to vector<256x32xf32>
    %mul3A_414 = arith.mulf %slice3A_412, %slice3A : vector<256x32xf32>
    %mul3A_415 = arith.mulf %slice3A_413, %slice3A_64 : vector<256x32xf32>
    %add3A_416 = arith.addf %mul3A_414, %mul3A_415 : vector<256x32xf32>
    %mul3A_417 = arith.mulf %slice3A_413, %slice3A : vector<256x32xf32>
    %mul3A_418 = arith.mulf %slice3A_412, %slice3A_64 : vector<256x32xf32>
    %sub3A_419 = arith.subf %mul3A_417, %mul3A_418 : vector<256x32xf32>
    %concatenate3A_420 = tpu.concatenate %add3A_404, %add3A_416, %sub3A_419 in 1 : vector<256x64xf32>, vector<256x32xf32>, vector<256x32xf32> -> vector<256x128xf32>
    %swap3A_421 = arith.constant 3 : index
    %swap3A_422 = arith.constant 0 : index
    %swap3A_423 = arith.constant 0 : index
    %swap3A_424 = vector.load %arg11[%swap3A_421, %swap3A_422, %swap3A_423] : memref<12x256x128xf32, #tpu.memory_space<vmem>>, vector<1x256x128xf32>
    %swap3A_425 = vector.shape_cast %swap3A_424 : vector<1x256x128xf32> to vector<256x128xf32>
    %swap3A_426 = vector.shape_cast %concatenate3A_420 : vector<256x128xf32> to vector<1x256x128xf32>
    tpu.vector_store %arg11[%swap3A_421, %swap3A_422, %swap3A_423], %swap3A_426 {strides = array<i32>} : memref<12x256x128xf32, #tpu.memory_space<vmem>>, vector<1x256x128xf32>,
    %swap3A_427 = arith.constant 3 : index
    %swap3A_428 = arith.constant 0 : index
    %swap3A_429 = arith.constant 0 : index
    %swap3A_430 = vector.load %arg12[%swap3A_427, %swap3A_428, %swap3A_429] : memref<12x256x64xf32, #tpu.memory_space<vmem>>, vector<1x256x64xf32>
    %swap3A_431 = vector.shape_cast %swap3A_430 : vector<1x256x64xf32> to vector<256x64xf32>
    %swap3A_432 = vector.shape_cast %mul3A_397 : vector<256x64xf32> to vector<1x256x64xf32>
    tpu.vector_store %arg12[%swap3A_427, %swap3A_428, %swap3A_429], %swap3A_432 {strides = array<i32>} : memref<12x256x64xf32, #tpu.memory_space<vmem>>, vector<1x256x64xf32>,
    %slice3A_433 = vector.extract_strided_slice %dot_general3A_44 {offsets = [0, 192], sizes = [256, 64], strides = [1, 1]} : vector<256x768xf32> to vector<256x64xf32>
    %swap3A_434 = arith.constant 3 : index
    %swap3A_435 = arith.constant 0 : index
    %swap3A_436 = arith.constant 0 : index
    %swap3A_437 = vector.load %arg13[%swap3A_434, %swap3A_435, %swap3A_436] : memref<12x256x64xf32, #tpu.memory_space<vmem>>, vector<1x256x64xf32>
    %swap3A_438 = vector.shape_cast %swap3A_437 : vector<1x256x64xf32> to vector<256x64xf32>
    %swap3A_439 = vector.shape_cast %slice3A_433 : vector<256x64xf32> to vector<1x256x64xf32>
    tpu.vector_store %arg13[%swap3A_434, %swap3A_435, %swap3A_436], %swap3A_439 {strides = array<i32>} : memref<12x256x64xf32, #tpu.memory_space<vmem>>, vector<1x256x64xf32>,
    %slice3A_440 = vector.extract_strided_slice %mul3A_60 {offsets = [0, 192], sizes = [256, 64], strides = [1, 1]} : vector<256x768xf32> to vector<256x64xf32>
    %swap3A_441 = arith.constant 3 : index
    %swap3A_442 = arith.constant 0 : index
    %swap3A_443 = arith.constant 0 : index
    %swap3A_444 = vector.load %arg14[%swap3A_441, %swap3A_442, %swap3A_443] : memref<12x256x64xf32, #tpu.memory_space<vmem>>, vector<1x256x64xf32>
    %swap3A_445 = vector.shape_cast %swap3A_444 : vector<1x256x64xf32> to vector<256x64xf32>
    %swap3A_446 = vector.shape_cast %slice3A_440 : vector<256x64xf32> to vector<1x256x64xf32>
    tpu.vector_store %arg14[%swap3A_441, %swap3A_442, %swap3A_443], %swap3A_446 {strides = array<i32>} : memref<12x256x64xf32, #tpu.memory_space<vmem>>, vector<1x256x64xf32>,
    %slice3A_447 = vector.extract_strided_slice %dot_general3A_30 {offsets = [0, 256], sizes = [256, 64], strides = [1, 1]} : vector<256x768xf32> to vector<256x64xf32>
    %reduce_sum3A_448 = arith.constant dense<0.000000e+00> : vector<256xf32>
    %reduce_sum3A_449 = vector.multi_reduction <add>, %slice3A_447, %reduce_sum3A_448 [1] : vector<256x64xf32> to vector<256xf32>
    %broadcast_in_dim3A_450 = vector.shape_cast %reduce_sum3A_449 : vector<256xf32> to vector<256x1xf32>
    %div3A_451 = arith.constant 6.400000e+01 : f32
    %div3A_452 = vector.broadcast %div3A_451 : f32 to vector<256x1xf32>
    %div3A_453 = arith.divf %broadcast_in_dim3A_450, %div3A_452 : vector<256x1xf32>
    %sub3A_454 = vector.broadcast %div3A_453 : vector<256x1xf32> to vector<256x64xf32>
    %sub3A_455 = arith.subf %slice3A_447, %sub3A_454 : vector<256x64xf32>
    %mul3A_456 = arith.mulf %sub3A_455, %sub3A_455 : vector<256x64xf32>
    %reduce_sum3A_457 = arith.constant dense<0.000000e+00> : vector<256xf32>
    %reduce_sum3A_458 = vector.multi_reduction <add>, %mul3A_456, %reduce_sum3A_457 [1] : vector<256x64xf32> to vector<256xf32>
    %broadcast_in_dim3A_459 = vector.shape_cast %reduce_sum3A_458 : vector<256xf32> to vector<256x1xf32>
    %div3A_460 = arith.constant 6.400000e+01 : f32
    %div3A_461 = vector.broadcast %div3A_460 : f32 to vector<256x1xf32>
    %div3A_462 = arith.divf %broadcast_in_dim3A_459, %div3A_461 : vector<256x1xf32>
    %add3A_463 = arith.constant 9.99999997E-7 : f32
    %add3A_464 = vector.broadcast %add3A_463 : f32 to vector<256x1xf32>
    %add3A_465 = arith.addf %div3A_462, %add3A_464 : vector<256x1xf32>
    %rsqrt3A_466 = math.rsqrt %add3A_465 : vector<256x1xf32>
    %mul3A_467 = vector.broadcast %rsqrt3A_466 : vector<256x1xf32> to vector<256x64xf32>
    %mul3A_468 = arith.mulf %sub3A_455, %mul3A_467 : vector<256x64xf32>
    %mul3A_469 = arith.constant 1.250000e-01 : f32
    %mul3A_470 = vector.broadcast %mul3A_469 : f32 to vector<256x64xf32>
    %mul3A_471 = arith.mulf %mul3A_468, %mul3A_470 : vector<256x64xf32>
    %slice3A_472 = vector.extract_strided_slice %dot_general3A_37 {offsets = [0, 256], sizes = [256, 64], strides = [1, 1]} : vector<256x768xf32> to vector<256x64xf32>
    %reduce_sum3A_473 = arith.constant dense<0.000000e+00> : vector<256xf32>
    %reduce_sum3A_474 = vector.multi_reduction <add>, %slice3A_472, %reduce_sum3A_473 [1] : vector<256x64xf32> to vector<256xf32>
    %broadcast_in_dim3A_475 = vector.shape_cast %reduce_sum3A_474 : vector<256xf32> to vector<256x1xf32>
    %div3A_476 = arith.constant 6.400000e+01 : f32
    %div3A_477 = vector.broadcast %div3A_476 : f32 to vector<256x1xf32>
    %div3A_478 = arith.divf %broadcast_in_dim3A_475, %div3A_477 : vector<256x1xf32>
    %sub3A_479 = vector.broadcast %div3A_478 : vector<256x1xf32> to vector<256x64xf32>
    %sub3A_480 = arith.subf %slice3A_472, %sub3A_479 : vector<256x64xf32>
    %mul3A_481 = arith.mulf %sub3A_480, %sub3A_480 : vector<256x64xf32>
    %reduce_sum3A_482 = arith.constant dense<0.000000e+00> : vector<256xf32>
    %reduce_sum3A_483 = vector.multi_reduction <add>, %mul3A_481, %reduce_sum3A_482 [1] : vector<256x64xf32> to vector<256xf32>
    %broadcast_in_dim3A_484 = vector.shape_cast %reduce_sum3A_483 : vector<256xf32> to vector<256x1xf32>
    %div3A_485 = arith.constant 6.400000e+01 : f32
    %div3A_486 = vector.broadcast %div3A_485 : f32 to vector<256x1xf32>
    %div3A_487 = arith.divf %broadcast_in_dim3A_484, %div3A_486 : vector<256x1xf32>
    %add3A_488 = arith.constant 9.99999997E-7 : f32
    %add3A_489 = vector.broadcast %add3A_488 : f32 to vector<256x1xf32>
    %add3A_490 = arith.addf %div3A_487, %add3A_489 : vector<256x1xf32>
    %rsqrt3A_491 = math.rsqrt %add3A_490 : vector<256x1xf32>
    %mul3A_492 = vector.broadcast %rsqrt3A_491 : vector<256x1xf32> to vector<256x64xf32>
    %mul3A_493 = arith.mulf %sub3A_480, %mul3A_492 : vector<256x64xf32>
    %get3A_494 = arith.constant 4 : index
    %get3A_495 = arith.constant 0 : index
    %get3A_496 = vector.load %arg8[%get3A_494, %get3A_495] : memref<12x64xf32, #tpu.memory_space<vmem>>, vector<1x64xf32>
    %get3A_497 = vector.shape_cast %get3A_496 : vector<1x64xf32> to vector<64xf32>
    %broadcast_in_dim3A_498 = vector.shape_cast %get3A_497 : vector<64xf32> to vector<1x64xf32>
    %add3A_499 = vector.broadcast %broadcast_in_dim3A_498 : vector<1x64xf32> to vector<256x64xf32>
    %add3A_500 = arith.addf %mul3A_471, %add3A_499 : vector<256x64xf32>
    %get3A_501 = arith.constant 4 : index
    %get3A_502 = arith.constant 0 : index
    %get3A_503 = vector.load %arg9[%get3A_501, %get3A_502] : memref<12x64xf32, #tpu.memory_space<vmem>>, vector<1x64xf32>
    %get3A_504 = vector.shape_cast %get3A_503 : vector<1x64xf32> to vector<64xf32>
    %broadcast_in_dim3A_505 = vector.shape_cast %get3A_504 : vector<64xf32> to vector<1x64xf32>
    %add3A_506 = vector.broadcast %broadcast_in_dim3A_505 : vector<1x64xf32> to vector<256x64xf32>
    %add3A_507 = arith.addf %mul3A_471, %add3A_506 : vector<256x64xf32>
    %slice3A_508 = vector.extract_strided_slice %add3A_507 {offsets = [0, 0], sizes = [256, 32], strides = [1, 1]} : vector<256x64xf32> to vector<256x32xf32>
    %slice3A_509 = vector.extract_strided_slice %add3A_507 {offsets = [0, 32], sizes = [256, 32], strides = [1, 1]} : vector<256x64xf32> to vector<256x32xf32>
    %mul3A_510 = arith.mulf %slice3A_508, %slice3A : vector<256x32xf32>
    %mul3A_511 = arith.mulf %slice3A_509, %slice3A_64 : vector<256x32xf32>
    %add3A_512 = arith.addf %mul3A_510, %mul3A_511 : vector<256x32xf32>
    %mul3A_513 = arith.mulf %slice3A_509, %slice3A : vector<256x32xf32>
    %mul3A_514 = arith.mulf %slice3A_508, %slice3A_64 : vector<256x32xf32>
    %sub3A_515 = arith.subf %mul3A_513, %mul3A_514 : vector<256x32xf32>
    %concatenate3A_516 = tpu.concatenate %add3A_500, %add3A_512, %sub3A_515 in 1 : vector<256x64xf32>, vector<256x32xf32>, vector<256x32xf32> -> vector<256x128xf32>
    %swap3A_517 = arith.constant 4 : index
    %swap3A_518 = arith.constant 0 : index
    %swap3A_519 = arith.constant 0 : index
    %swap3A_520 = vector.load %arg11[%swap3A_517, %swap3A_518, %swap3A_519] : memref<12x256x128xf32, #tpu.memory_space<vmem>>, vector<1x256x128xf32>
    %swap3A_521 = vector.shape_cast %swap3A_520 : vector<1x256x128xf32> to vector<256x128xf32>
    %swap3A_522 = vector.shape_cast %concatenate3A_516 : vector<256x128xf32> to vector<1x256x128xf32>
    tpu.vector_store %arg11[%swap3A_517, %swap3A_518, %swap3A_519], %swap3A_522 {strides = array<i32>} : memref<12x256x128xf32, #tpu.memory_space<vmem>>, vector<1x256x128xf32>,
    %swap3A_523 = arith.constant 4 : index
    %swap3A_524 = arith.constant 0 : index
    %swap3A_525 = arith.constant 0 : index
    %swap3A_526 = vector.load %arg12[%swap3A_523, %swap3A_524, %swap3A_525] : memref<12x256x64xf32, #tpu.memory_space<vmem>>, vector<1x256x64xf32>
    %swap3A_527 = vector.shape_cast %swap3A_526 : vector<1x256x64xf32> to vector<256x64xf32>
    %swap3A_528 = vector.shape_cast %mul3A_493 : vector<256x64xf32> to vector<1x256x64xf32>
    tpu.vector_store %arg12[%swap3A_523, %swap3A_524, %swap3A_525], %swap3A_528 {strides = array<i32>} : memref<12x256x64xf32, #tpu.memory_space<vmem>>, vector<1x256x64xf32>,
    %slice3A_529 = vector.extract_strided_slice %dot_general3A_44 {offsets = [0, 256], sizes = [256, 64], strides = [1, 1]} : vector<256x768xf32> to vector<256x64xf32>
    %swap3A_530 = arith.constant 4 : index
    %swap3A_531 = arith.constant 0 : index
    %swap3A_532 = arith.constant 0 : index
    %swap3A_533 = vector.load %arg13[%swap3A_530, %swap3A_531, %swap3A_532] : memref<12x256x64xf32, #tpu.memory_space<vmem>>, vector<1x256x64xf32>
    %swap3A_534 = vector.shape_cast %swap3A_533 : vector<1x256x64xf32> to vector<256x64xf32>
    %swap3A_535 = vector.shape_cast %slice3A_529 : vector<256x64xf32> to vector<1x256x64xf32>
    tpu.vector_store %arg13[%swap3A_530, %swap3A_531, %swap3A_532], %swap3A_535 {strides = array<i32>} : memref<12x256x64xf32, #tpu.memory_space<vmem>>, vector<1x256x64xf32>,
    %slice3A_536 = vector.extract_strided_slice %mul3A_60 {offsets = [0, 256], sizes = [256, 64], strides = [1, 1]} : vector<256x768xf32> to vector<256x64xf32>
    %swap3A_537 = arith.constant 4 : index
    %swap3A_538 = arith.constant 0 : index
    %swap3A_539 = arith.constant 0 : index
    %swap3A_540 = vector.load %arg14[%swap3A_537, %swap3A_538, %swap3A_539] : memref<12x256x64xf32, #tpu.memory_space<vmem>>, vector<1x256x64xf32>
    %swap3A_541 = vector.shape_cast %swap3A_540 : vector<1x256x64xf32> to vector<256x64xf32>
    %swap3A_542 = vector.shape_cast %slice3A_536 : vector<256x64xf32> to vector<1x256x64xf32>
    tpu.vector_store %arg14[%swap3A_537, %swap3A_538, %swap3A_539], %swap3A_542 {strides = array<i32>} : memref<12x256x64xf32, #tpu.memory_space<vmem>>, vector<1x256x64xf32>,
    %slice3A_543 = vector.extract_strided_slice %dot_general3A_30 {offsets = [0, 320], sizes = [256, 64], strides = [1, 1]} : vector<256x768xf32> to vector<256x64xf32>
    %reduce_sum3A_544 = arith.constant dense<0.000000e+00> : vector<256xf32>
    %reduce_sum3A_545 = vector.multi_reduction <add>, %slice3A_543, %reduce_sum3A_544 [1] : vector<256x64xf32> to vector<256xf32>
    %broadcast_in_dim3A_546 = vector.shape_cast %reduce_sum3A_545 : vector<256xf32> to vector<256x1xf32>
    %div3A_547 = arith.constant 6.400000e+01 : f32
    %div3A_548 = vector.broadcast %div3A_547 : f32 to vector<256x1xf32>
    %div3A_549 = arith.divf %broadcast_in_dim3A_546, %div3A_548 : vector<256x1xf32>
    %sub3A_550 = vector.broadcast %div3A_549 : vector<256x1xf32> to vector<256x64xf32>
    %sub3A_551 = arith.subf %slice3A_543, %sub3A_550 : vector<256x64xf32>
    %mul3A_552 = arith.mulf %sub3A_551, %sub3A_551 : vector<256x64xf32>
    %reduce_sum3A_553 = arith.constant dense<0.000000e+00> : vector<256xf32>
    %reduce_sum3A_554 = vector.multi_reduction <add>, %mul3A_552, %reduce_sum3A_553 [1] : vector<256x64xf32> to vector<256xf32>
    %broadcast_in_dim3A_555 = vector.shape_cast %reduce_sum3A_554 : vector<256xf32> to vector<256x1xf32>
    %div3A_556 = arith.constant 6.400000e+01 : f32
    %div3A_557 = vector.broadcast %div3A_556 : f32 to vector<256x1xf32>
    %div3A_558 = arith.divf %broadcast_in_dim3A_555, %div3A_557 : vector<256x1xf32>
    %add3A_559 = arith.constant 9.99999997E-7 : f32
    %add3A_560 = vector.broadcast %add3A_559 : f32 to vector<256x1xf32>
    %add3A_561 = arith.addf %div3A_558, %add3A_560 : vector<256x1xf32>
    %rsqrt3A_562 = math.rsqrt %add3A_561 : vector<256x1xf32>
    %mul3A_563 = vector.broadcast %rsqrt3A_562 : vector<256x1xf32> to vector<256x64xf32>
    %mul3A_564 = arith.mulf %sub3A_551, %mul3A_563 : vector<256x64xf32>
    %mul3A_565 = arith.constant 1.250000e-01 : f32
    %mul3A_566 = vector.broadcast %mul3A_565 : f32 to vector<256x64xf32>
    %mul3A_567 = arith.mulf %mul3A_564, %mul3A_566 : vector<256x64xf32>
    %slice3A_568 = vector.extract_strided_slice %dot_general3A_37 {offsets = [0, 320], sizes = [256, 64], strides = [1, 1]} : vector<256x768xf32> to vector<256x64xf32>
    %reduce_sum3A_569 = arith.constant dense<0.000000e+00> : vector<256xf32>
    %reduce_sum3A_570 = vector.multi_reduction <add>, %slice3A_568, %reduce_sum3A_569 [1] : vector<256x64xf32> to vector<256xf32>
    %broadcast_in_dim3A_571 = vector.shape_cast %reduce_sum3A_570 : vector<256xf32> to vector<256x1xf32>
    %div3A_572 = arith.constant 6.400000e+01 : f32
    %div3A_573 = vector.broadcast %div3A_572 : f32 to vector<256x1xf32>
    %div3A_574 = arith.divf %broadcast_in_dim3A_571, %div3A_573 : vector<256x1xf32>
    %sub3A_575 = vector.broadcast %div3A_574 : vector<256x1xf32> to vector<256x64xf32>
    %sub3A_576 = arith.subf %slice3A_568, %sub3A_575 : vector<256x64xf32>
    %mul3A_577 = arith.mulf %sub3A_576, %sub3A_576 : vector<256x64xf32>
    %reduce_sum3A_578 = arith.constant dense<0.000000e+00> : vector<256xf32>
    %reduce_sum3A_579 = vector.multi_reduction <add>, %mul3A_577, %reduce_sum3A_578 [1] : vector<256x64xf32> to vector<256xf32>
    %broadcast_in_dim3A_580 = vector.shape_cast %reduce_sum3A_579 : vector<256xf32> to vector<256x1xf32>
    %div3A_581 = arith.constant 6.400000e+01 : f32
    %div3A_582 = vector.broadcast %div3A_581 : f32 to vector<256x1xf32>
    %div3A_583 = arith.divf %broadcast_in_dim3A_580, %div3A_582 : vector<256x1xf32>
    %add3A_584 = arith.constant 9.99999997E-7 : f32
    %add3A_585 = vector.broadcast %add3A_584 : f32 to vector<256x1xf32>
    %add3A_586 = arith.addf %div3A_583, %add3A_585 : vector<256x1xf32>
    %rsqrt3A_587 = math.rsqrt %add3A_586 : vector<256x1xf32>
    %mul3A_588 = vector.broadcast %rsqrt3A_587 : vector<256x1xf32> to vector<256x64xf32>
    %mul3A_589 = arith.mulf %sub3A_576, %mul3A_588 : vector<256x64xf32>
    %get3A_590 = arith.constant 5 : index
    %get3A_591 = arith.constant 0 : index
    %get3A_592 = vector.load %arg8[%get3A_590, %get3A_591] : memref<12x64xf32, #tpu.memory_space<vmem>>, vector<1x64xf32>
    %get3A_593 = vector.shape_cast %get3A_592 : vector<1x64xf32> to vector<64xf32>
    %broadcast_in_dim3A_594 = vector.shape_cast %get3A_593 : vector<64xf32> to vector<1x64xf32>
    %add3A_595 = vector.broadcast %broadcast_in_dim3A_594 : vector<1x64xf32> to vector<256x64xf32>
    %add3A_596 = arith.addf %mul3A_567, %add3A_595 : vector<256x64xf32>
    %get3A_597 = arith.constant 5 : index
    %get3A_598 = arith.constant 0 : index
    %get3A_599 = vector.load %arg9[%get3A_597, %get3A_598] : memref<12x64xf32, #tpu.memory_space<vmem>>, vector<1x64xf32>
    %get3A_600 = vector.shape_cast %get3A_599 : vector<1x64xf32> to vector<64xf32>
    %broadcast_in_dim3A_601 = vector.shape_cast %get3A_600 : vector<64xf32> to vector<1x64xf32>
    %add3A_602 = vector.broadcast %broadcast_in_dim3A_601 : vector<1x64xf32> to vector<256x64xf32>
    %add3A_603 = arith.addf %mul3A_567, %add3A_602 : vector<256x64xf32>
    %slice3A_604 = vector.extract_strided_slice %add3A_603 {offsets = [0, 0], sizes = [256, 32], strides = [1, 1]} : vector<256x64xf32> to vector<256x32xf32>
    %slice3A_605 = vector.extract_strided_slice %add3A_603 {offsets = [0, 32], sizes = [256, 32], strides = [1, 1]} : vector<256x64xf32> to vector<256x32xf32>
    %mul3A_606 = arith.mulf %slice3A_604, %slice3A : vector<256x32xf32>
    %mul3A_607 = arith.mulf %slice3A_605, %slice3A_64 : vector<256x32xf32>
    %add3A_608 = arith.addf %mul3A_606, %mul3A_607 : vector<256x32xf32>
    %mul3A_609 = arith.mulf %slice3A_605, %slice3A : vector<256x32xf32>
    %mul3A_610 = arith.mulf %slice3A_604, %slice3A_64 : vector<256x32xf32>
    %sub3A_611 = arith.subf %mul3A_609, %mul3A_610 : vector<256x32xf32>
    %concatenate3A_612 = tpu.concatenate %add3A_596, %add3A_608, %sub3A_611 in 1 : vector<256x64xf32>, vector<256x32xf32>, vector<256x32xf32> -> vector<256x128xf32>
    %swap3A_613 = arith.constant 5 : index
    %swap3A_614 = arith.constant 0 : index
    %swap3A_615 = arith.constant 0 : index
    %swap3A_616 = vector.load %arg11[%swap3A_613, %swap3A_614, %swap3A_615] : memref<12x256x128xf32, #tpu.memory_space<vmem>>, vector<1x256x128xf32>
    %swap3A_617 = vector.shape_cast %swap3A_616 : vector<1x256x128xf32> to vector<256x128xf32>
    %swap3A_618 = vector.shape_cast %concatenate3A_612 : vector<256x128xf32> to vector<1x256x128xf32>
    tpu.vector_store %arg11[%swap3A_613, %swap3A_614, %swap3A_615], %swap3A_618 {strides = array<i32>} : memref<12x256x128xf32, #tpu.memory_space<vmem>>, vector<1x256x128xf32>,
    %swap3A_619 = arith.constant 5 : index
    %swap3A_620 = arith.constant 0 : index
    %swap3A_621 = arith.constant 0 : index
    %swap3A_622 = vector.load %arg12[%swap3A_619, %swap3A_620, %swap3A_621] : memref<12x256x64xf32, #tpu.memory_space<vmem>>, vector<1x256x64xf32>
    %swap3A_623 = vector.shape_cast %swap3A_622 : vector<1x256x64xf32> to vector<256x64xf32>
    %swap3A_624 = vector.shape_cast %mul3A_589 : vector<256x64xf32> to vector<1x256x64xf32>
    tpu.vector_store %arg12[%swap3A_619, %swap3A_620, %swap3A_621], %swap3A_624 {strides = array<i32>} : memref<12x256x64xf32, #tpu.memory_space<vmem>>, vector<1x256x64xf32>,
    %slice3A_625 = vector.extract_strided_slice %dot_general3A_44 {offsets = [0, 320], sizes = [256, 64], strides = [1, 1]} : vector<256x768xf32> to vector<256x64xf32>
    %swap3A_626 = arith.constant 5 : index
    %swap3A_627 = arith.constant 0 : index
    %swap3A_628 = arith.constant 0 : index
    %swap3A_629 = vector.load %arg13[%swap3A_626, %swap3A_627, %swap3A_628] : memref<12x256x64xf32, #tpu.memory_space<vmem>>, vector<1x256x64xf32>
    %swap3A_630 = vector.shape_cast %swap3A_629 : vector<1x256x64xf32> to vector<256x64xf32>
    %swap3A_631 = vector.shape_cast %slice3A_625 : vector<256x64xf32> to vector<1x256x64xf32>
    tpu.vector_store %arg13[%swap3A_626, %swap3A_627, %swap3A_628], %swap3A_631 {strides = array<i32>} : memref<12x256x64xf32, #tpu.memory_space<vmem>>, vector<1x256x64xf32>,
    %slice3A_632 = vector.extract_strided_slice %mul3A_60 {offsets = [0, 320], sizes = [256, 64], strides = [1, 1]} : vector<256x768xf32> to vector<256x64xf32>
    %swap3A_633 = arith.constant 5 : index
    %swap3A_634 = arith.constant 0 : index
    %swap3A_635 = arith.constant 0 : index
    %swap3A_636 = vector.load %arg14[%swap3A_633, %swap3A_634, %swap3A_635] : memref<12x256x64xf32, #tpu.memory_space<vmem>>, vector<1x256x64xf32>
    %swap3A_637 = vector.shape_cast %swap3A_636 : vector<1x256x64xf32> to vector<256x64xf32>
    %swap3A_638 = vector.shape_cast %slice3A_632 : vector<256x64xf32> to vector<1x256x64xf32>
    tpu.vector_store %arg14[%swap3A_633, %swap3A_634, %swap3A_635], %swap3A_638 {strides = array<i32>} : memref<12x256x64xf32, #tpu.memory_space<vmem>>, vector<1x256x64xf32>,
    %slice3A_639 = vector.extract_strided_slice %dot_general3A_30 {offsets = [0, 384], sizes = [256, 64], strides = [1, 1]} : vector<256x768xf32> to vector<256x64xf32>
    %reduce_sum3A_640 = arith.constant dense<0.000000e+00> : vector<256xf32>
    %reduce_sum3A_641 = vector.multi_reduction <add>, %slice3A_639, %reduce_sum3A_640 [1] : vector<256x64xf32> to vector<256xf32>
    %broadcast_in_dim3A_642 = vector.shape_cast %reduce_sum3A_641 : vector<256xf32> to vector<256x1xf32>
    %div3A_643 = arith.constant 6.400000e+01 : f32
    %div3A_644 = vector.broadcast %div3A_643 : f32 to vector<256x1xf32>
    %div3A_645 = arith.divf %broadcast_in_dim3A_642, %div3A_644 : vector<256x1xf32>
    %sub3A_646 = vector.broadcast %div3A_645 : vector<256x1xf32> to vector<256x64xf32>
    %sub3A_647 = arith.subf %slice3A_639, %sub3A_646 : vector<256x64xf32>
    %mul3A_648 = arith.mulf %sub3A_647, %sub3A_647 : vector<256x64xf32>
    %reduce_sum3A_649 = arith.constant dense<0.000000e+00> : vector<256xf32>
    %reduce_sum3A_650 = vector.multi_reduction <add>, %mul3A_648, %reduce_sum3A_649 [1] : vector<256x64xf32> to vector<256xf32>
    %broadcast_in_dim3A_651 = vector.shape_cast %reduce_sum3A_650 : vector<256xf32> to vector<256x1xf32>
    %div3A_652 = arith.constant 6.400000e+01 : f32
    %div3A_653 = vector.broadcast %div3A_652 : f32 to vector<256x1xf32>
    %div3A_654 = arith.divf %broadcast_in_dim3A_651, %div3A_653 : vector<256x1xf32>
    %add3A_655 = arith.constant 9.99999997E-7 : f32
    %add3A_656 = vector.broadcast %add3A_655 : f32 to vector<256x1xf32>
    %add3A_657 = arith.addf %div3A_654, %add3A_656 : vector<256x1xf32>
    %rsqrt3A_658 = math.rsqrt %add3A_657 : vector<256x1xf32>
    %mul3A_659 = vector.broadcast %rsqrt3A_658 : vector<256x1xf32> to vector<256x64xf32>
    %mul3A_660 = arith.mulf %sub3A_647, %mul3A_659 : vector<256x64xf32>
    %mul3A_661 = arith.constant 1.250000e-01 : f32
    %mul3A_662 = vector.broadcast %mul3A_661 : f32 to vector<256x64xf32>
    %mul3A_663 = arith.mulf %mul3A_660, %mul3A_662 : vector<256x64xf32>
    %slice3A_664 = vector.extract_strided_slice %dot_general3A_37 {offsets = [0, 384], sizes = [256, 64], strides = [1, 1]} : vector<256x768xf32> to vector<256x64xf32>
    %reduce_sum3A_665 = arith.constant dense<0.000000e+00> : vector<256xf32>
    %reduce_sum3A_666 = vector.multi_reduction <add>, %slice3A_664, %reduce_sum3A_665 [1] : vector<256x64xf32> to vector<256xf32>
    %broadcast_in_dim3A_667 = vector.shape_cast %reduce_sum3A_666 : vector<256xf32> to vector<256x1xf32>
    %div3A_668 = arith.constant 6.400000e+01 : f32
    %div3A_669 = vector.broadcast %div3A_668 : f32 to vector<256x1xf32>
    %div3A_670 = arith.divf %broadcast_in_dim3A_667, %div3A_669 : vector<256x1xf32>
    %sub3A_671 = vector.broadcast %div3A_670 : vector<256x1xf32> to vector<256x64xf32>
    %sub3A_672 = arith.subf %slice3A_664, %sub3A_671 : vector<256x64xf32>
    %mul3A_673 = arith.mulf %sub3A_672, %sub3A_672 : vector<256x64xf32>
    %reduce_sum3A_674 = arith.constant dense<0.000000e+00> : vector<256xf32>
    %reduce_sum3A_675 = vector.multi_reduction <add>, %mul3A_673, %reduce_sum3A_674 [1] : vector<256x64xf32> to vector<256xf32>
    %broadcast_in_dim3A_676 = vector.shape_cast %reduce_sum3A_675 : vector<256xf32> to vector<256x1xf32>
    %div3A_677 = arith.constant 6.400000e+01 : f32
    %div3A_678 = vector.broadcast %div3A_677 : f32 to vector<256x1xf32>
    %div3A_679 = arith.divf %broadcast_in_dim3A_676, %div3A_678 : vector<256x1xf32>
    %add3A_680 = arith.constant 9.99999997E-7 : f32
    %add3A_681 = vector.broadcast %add3A_680 : f32 to vector<256x1xf32>
    %add3A_682 = arith.addf %div3A_679, %add3A_681 : vector<256x1xf32>
    %rsqrt3A_683 = math.rsqrt %add3A_682 : vector<256x1xf32>
    %mul3A_684 = vector.broadcast %rsqrt3A_683 : vector<256x1xf32> to vector<256x64xf32>
    %mul3A_685 = arith.mulf %sub3A_672, %mul3A_684 : vector<256x64xf32>
    %get3A_686 = arith.constant 6 : index
    %get3A_687 = arith.constant 0 : index
    %get3A_688 = vector.load %arg8[%get3A_686, %get3A_687] : memref<12x64xf32, #tpu.memory_space<vmem>>, vector<1x64xf32>
    %get3A_689 = vector.shape_cast %get3A_688 : vector<1x64xf32> to vector<64xf32>
    %broadcast_in_dim3A_690 = vector.shape_cast %get3A_689 : vector<64xf32> to vector<1x64xf32>
    %add3A_691 = vector.broadcast %broadcast_in_dim3A_690 : vector<1x64xf32> to vector<256x64xf32>
    %add3A_692 = arith.addf %mul3A_663, %add3A_691 : vector<256x64xf32>
    %get3A_693 = arith.constant 6 : index
    %get3A_694 = arith.constant 0 : index
    %get3A_695 = vector.load %arg9[%get3A_693, %get3A_694] : memref<12x64xf32, #tpu.memory_space<vmem>>, vector<1x64xf32>
    %get3A_696 = vector.shape_cast %get3A_695 : vector<1x64xf32> to vector<64xf32>
    %broadcast_in_dim3A_697 = vector.shape_cast %get3A_696 : vector<64xf32> to vector<1x64xf32>
    %add3A_698 = vector.broadcast %broadcast_in_dim3A_697 : vector<1x64xf32> to vector<256x64xf32>
    %add3A_699 = arith.addf %mul3A_663, %add3A_698 : vector<256x64xf32>
    %slice3A_700 = vector.extract_strided_slice %add3A_699 {offsets = [0, 0], sizes = [256, 32], strides = [1, 1]} : vector<256x64xf32> to vector<256x32xf32>
    %slice3A_701 = vector.extract_strided_slice %add3A_699 {offsets = [0, 32], sizes = [256, 32], strides = [1, 1]} : vector<256x64xf32> to vector<256x32xf32>
    %mul3A_702 = arith.mulf %slice3A_700, %slice3A : vector<256x32xf32>
    %mul3A_703 = arith.mulf %slice3A_701, %slice3A_64 : vector<256x32xf32>
    %add3A_704 = arith.addf %mul3A_702, %mul3A_703 : vector<256x32xf32>
    %mul3A_705 = arith.mulf %slice3A_701, %slice3A : vector<256x32xf32>
    %mul3A_706 = arith.mulf %slice3A_700, %slice3A_64 : vector<256x32xf32>
    %sub3A_707 = arith.subf %mul3A_705, %mul3A_706 : vector<256x32xf32>
    %concatenate3A_708 = tpu.concatenate %add3A_692, %add3A_704, %sub3A_707 in 1 : vector<256x64xf32>, vector<256x32xf32>, vector<256x32xf32> -> vector<256x128xf32>
    %swap3A_709 = arith.constant 6 : index
    %swap3A_710 = arith.constant 0 : index
    %swap3A_711 = arith.constant 0 : index
    %swap3A_712 = vector.load %arg11[%swap3A_709, %swap3A_710, %swap3A_711] : memref<12x256x128xf32, #tpu.memory_space<vmem>>, vector<1x256x128xf32>
    %swap3A_713 = vector.shape_cast %swap3A_712 : vector<1x256x128xf32> to vector<256x128xf32>
    %swap3A_714 = vector.shape_cast %concatenate3A_708 : vector<256x128xf32> to vector<1x256x128xf32>
    tpu.vector_store %arg11[%swap3A_709, %swap3A_710, %swap3A_711], %swap3A_714 {strides = array<i32>} : memref<12x256x128xf32, #tpu.memory_space<vmem>>, vector<1x256x128xf32>,
    %swap3A_715 = arith.constant 6 : index
    %swap3A_716 = arith.constant 0 : index
    %swap3A_717 = arith.constant 0 : index
    %swap3A_718 = vector.load %arg12[%swap3A_715, %swap3A_716, %swap3A_717] : memref<12x256x64xf32, #tpu.memory_space<vmem>>, vector<1x256x64xf32>
    %swap3A_719 = vector.shape_cast %swap3A_718 : vector<1x256x64xf32> to vector<256x64xf32>
    %swap3A_720 = vector.shape_cast %mul3A_685 : vector<256x64xf32> to vector<1x256x64xf32>
    tpu.vector_store %arg12[%swap3A_715, %swap3A_716, %swap3A_717], %swap3A_720 {strides = array<i32>} : memref<12x256x64xf32, #tpu.memory_space<vmem>>, vector<1x256x64xf32>,
    %slice3A_721 = vector.extract_strided_slice %dot_general3A_44 {offsets = [0, 384], sizes = [256, 64], strides = [1, 1]} : vector<256x768xf32> to vector<256x64xf32>
    %swap3A_722 = arith.constant 6 : index
    %swap3A_723 = arith.constant 0 : index
    %swap3A_724 = arith.constant 0 : index
    %swap3A_725 = vector.load %arg13[%swap3A_722, %swap3A_723, %swap3A_724] : memref<12x256x64xf32, #tpu.memory_space<vmem>>, vector<1x256x64xf32>
    %swap3A_726 = vector.shape_cast %swap3A_725 : vector<1x256x64xf32> to vector<256x64xf32>
    %swap3A_727 = vector.shape_cast %slice3A_721 : vector<256x64xf32> to vector<1x256x64xf32>
    tpu.vector_store %arg13[%swap3A_722, %swap3A_723, %swap3A_724], %swap3A_727 {strides = array<i32>} : memref<12x256x64xf32, #tpu.memory_space<vmem>>, vector<1x256x64xf32>,
    %slice3A_728 = vector.extract_strided_slice %mul3A_60 {offsets = [0, 384], sizes = [256, 64], strides = [1, 1]} : vector<256x768xf32> to vector<256x64xf32>
    %swap3A_729 = arith.constant 6 : index
    %swap3A_730 = arith.constant 0 : index
    %swap3A_731 = arith.constant 0 : index
    %swap3A_732 = vector.load %arg14[%swap3A_729, %swap3A_730, %swap3A_731] : memref<12x256x64xf32, #tpu.memory_space<vmem>>, vector<1x256x64xf32>
    %swap3A_733 = vector.shape_cast %swap3A_732 : vector<1x256x64xf32> to vector<256x64xf32>
    %swap3A_734 = vector.shape_cast %slice3A_728 : vector<256x64xf32> to vector<1x256x64xf32>
    tpu.vector_store %arg14[%swap3A_729, %swap3A_730, %swap3A_731], %swap3A_734 {strides = array<i32>} : memref<12x256x64xf32, #tpu.memory_space<vmem>>, vector<1x256x64xf32>,
    %slice3A_735 = vector.extract_strided_slice %dot_general3A_30 {offsets = [0, 448], sizes = [256, 64], strides = [1, 1]} : vector<256x768xf32> to vector<256x64xf32>
    %reduce_sum3A_736 = arith.constant dense<0.000000e+00> : vector<256xf32>
    %reduce_sum3A_737 = vector.multi_reduction <add>, %slice3A_735, %reduce_sum3A_736 [1] : vector<256x64xf32> to vector<256xf32>
    %broadcast_in_dim3A_738 = vector.shape_cast %reduce_sum3A_737 : vector<256xf32> to vector<256x1xf32>
    %div3A_739 = arith.constant 6.400000e+01 : f32
    %div3A_740 = vector.broadcast %div3A_739 : f32 to vector<256x1xf32>
    %div3A_741 = arith.divf %broadcast_in_dim3A_738, %div3A_740 : vector<256x1xf32>
    %sub3A_742 = vector.broadcast %div3A_741 : vector<256x1xf32> to vector<256x64xf32>
    %sub3A_743 = arith.subf %slice3A_735, %sub3A_742 : vector<256x64xf32>
    %mul3A_744 = arith.mulf %sub3A_743, %sub3A_743 : vector<256x64xf32>
    %reduce_sum3A_745 = arith.constant dense<0.000000e+00> : vector<256xf32>
    %reduce_sum3A_746 = vector.multi_reduction <add>, %mul3A_744, %reduce_sum3A_745 [1] : vector<256x64xf32> to vector<256xf32>
    %broadcast_in_dim3A_747 = vector.shape_cast %reduce_sum3A_746 : vector<256xf32> to vector<256x1xf32>
    %div3A_748 = arith.constant 6.400000e+01 : f32
    %div3A_749 = vector.broadcast %div3A_748 : f32 to vector<256x1xf32>
    %div3A_750 = arith.divf %broadcast_in_dim3A_747, %div3A_749 : vector<256x1xf32>
    %add3A_751 = arith.constant 9.99999997E-7 : f32
    %add3A_752 = vector.broadcast %add3A_751 : f32 to vector<256x1xf32>
    %add3A_753 = arith.addf %div3A_750, %add3A_752 : vector<256x1xf32>
    %rsqrt3A_754 = math.rsqrt %add3A_753 : vector<256x1xf32>
    %mul3A_755 = vector.broadcast %rsqrt3A_754 : vector<256x1xf32> to vector<256x64xf32>
    %mul3A_756 = arith.mulf %sub3A_743, %mul3A_755 : vector<256x64xf32>
    %mul3A_757 = arith.constant 1.250000e-01 : f32
    %mul3A_758 = vector.broadcast %mul3A_757 : f32 to vector<256x64xf32>
    %mul3A_759 = arith.mulf %mul3A_756, %mul3A_758 : vector<256x64xf32>
    %slice3A_760 = vector.extract_strided_slice %dot_general3A_37 {offsets = [0, 448], sizes = [256, 64], strides = [1, 1]} : vector<256x768xf32> to vector<256x64xf32>
    %reduce_sum3A_761 = arith.constant dense<0.000000e+00> : vector<256xf32>
    %reduce_sum3A_762 = vector.multi_reduction <add>, %slice3A_760, %reduce_sum3A_761 [1] : vector<256x64xf32> to vector<256xf32>
    %broadcast_in_dim3A_763 = vector.shape_cast %reduce_sum3A_762 : vector<256xf32> to vector<256x1xf32>
    %div3A_764 = arith.constant 6.400000e+01 : f32
    %div3A_765 = vector.broadcast %div3A_764 : f32 to vector<256x1xf32>
    %div3A_766 = arith.divf %broadcast_in_dim3A_763, %div3A_765 : vector<256x1xf32>
    %sub3A_767 = vector.broadcast %div3A_766 : vector<256x1xf32> to vector<256x64xf32>
    %sub3A_768 = arith.subf %slice3A_760, %sub3A_767 : vector<256x64xf32>
    %mul3A_769 = arith.mulf %sub3A_768, %sub3A_768 : vector<256x64xf32>
    %reduce_sum3A_770 = arith.constant dense<0.000000e+00> : vector<256xf32>
    %reduce_sum3A_771 = vector.multi_reduction <add>, %mul3A_769, %reduce_sum3A_770 [1] : vector<256x64xf32> to vector<256xf32>
    %broadcast_in_dim3A_772 = vector.shape_cast %reduce_sum3A_771 : vector<256xf32> to vector<256x1xf32>
    %div3A_773 = arith.constant 6.400000e+01 : f32
    %div3A_774 = vector.broadcast %div3A_773 : f32 to vector<256x1xf32>
    %div3A_775 = arith.divf %broadcast_in_dim3A_772, %div3A_774 : vector<256x1xf32>
    %add3A_776 = arith.constant 9.99999997E-7 : f32
    %add3A_777 = vector.broadcast %add3A_776 : f32 to vector<256x1xf32>
    %add3A_778 = arith.addf %div3A_775, %add3A_777 : vector<256x1xf32>
    %rsqrt3A_779 = math.rsqrt %add3A_778 : vector<256x1xf32>
    %mul3A_780 = vector.broadcast %rsqrt3A_779 : vector<256x1xf32> to vector<256x64xf32>
    %mul3A_781 = arith.mulf %sub3A_768, %mul3A_780 : vector<256x64xf32>
    %get3A_782 = arith.constant 7 : index
    %get3A_783 = arith.constant 0 : index
    %get3A_784 = vector.load %arg8[%get3A_782, %get3A_783] : memref<12x64xf32, #tpu.memory_space<vmem>>, vector<1x64xf32>
    %get3A_785 = vector.shape_cast %get3A_784 : vector<1x64xf32> to vector<64xf32>
    %broadcast_in_dim3A_786 = vector.shape_cast %get3A_785 : vector<64xf32> to vector<1x64xf32>
    %add3A_787 = vector.broadcast %broadcast_in_dim3A_786 : vector<1x64xf32> to vector<256x64xf32>
    %add3A_788 = arith.addf %mul3A_759, %add3A_787 : vector<256x64xf32>
    %get3A_789 = arith.constant 7 : index
    %get3A_790 = arith.constant 0 : index
    %get3A_791 = vector.load %arg9[%get3A_789, %get3A_790] : memref<12x64xf32, #tpu.memory_space<vmem>>, vector<1x64xf32>
    %get3A_792 = vector.shape_cast %get3A_791 : vector<1x64xf32> to vector<64xf32>
    %broadcast_in_dim3A_793 = vector.shape_cast %get3A_792 : vector<64xf32> to vector<1x64xf32>
    %add3A_794 = vector.broadcast %broadcast_in_dim3A_793 : vector<1x64xf32> to vector<256x64xf32>
    %add3A_795 = arith.addf %mul3A_759, %add3A_794 : vector<256x64xf32>
    %slice3A_796 = vector.extract_strided_slice %add3A_795 {offsets = [0, 0], sizes = [256, 32], strides = [1, 1]} : vector<256x64xf32> to vector<256x32xf32>
    %slice3A_797 = vector.extract_strided_slice %add3A_795 {offsets = [0, 32], sizes = [256, 32], strides = [1, 1]} : vector<256x64xf32> to vector<256x32xf32>
    %mul3A_798 = arith.mulf %slice3A_796, %slice3A : vector<256x32xf32>
    %mul3A_799 = arith.mulf %slice3A_797, %slice3A_64 : vector<256x32xf32>
    %add3A_800 = arith.addf %mul3A_798, %mul3A_799 : vector<256x32xf32>
    %mul3A_801 = arith.mulf %slice3A_797, %slice3A : vector<256x32xf32>
    %mul3A_802 = arith.mulf %slice3A_796, %slice3A_64 : vector<256x32xf32>
    %sub3A_803 = arith.subf %mul3A_801, %mul3A_802 : vector<256x32xf32>
    %concatenate3A_804 = tpu.concatenate %add3A_788, %add3A_800, %sub3A_803 in 1 : vector<256x64xf32>, vector<256x32xf32>, vector<256x32xf32> -> vector<256x128xf32>
    %swap3A_805 = arith.constant 7 : index
    %swap3A_806 = arith.constant 0 : index
    %swap3A_807 = arith.constant 0 : index
    %swap3A_808 = vector.load %arg11[%swap3A_805, %swap3A_806, %swap3A_807] : memref<12x256x128xf32, #tpu.memory_space<vmem>>, vector<1x256x128xf32>
    %swap3A_809 = vector.shape_cast %swap3A_808 : vector<1x256x128xf32> to vector<256x128xf32>
    %swap3A_810 = vector.shape_cast %concatenate3A_804 : vector<256x128xf32> to vector<1x256x128xf32>
    tpu.vector_store %arg11[%swap3A_805, %swap3A_806, %swap3A_807], %swap3A_810 {strides = array<i32>} : memref<12x256x128xf32, #tpu.memory_space<vmem>>, vector<1x256x128xf32>,
    %swap3A_811 = arith.constant 7 : index
    %swap3A_812 = arith.constant 0 : index
    %swap3A_813 = arith.constant 0 : index
    %swap3A_814 = vector.load %arg12[%swap3A_811, %swap3A_812, %swap3A_813] : memref<12x256x64xf32, #tpu.memory_space<vmem>>, vector<1x256x64xf32>
    %swap3A_815 = vector.shape_cast %swap3A_814 : vector<1x256x64xf32> to vector<256x64xf32>
    %swap3A_816 = vector.shape_cast %mul3A_781 : vector<256x64xf32> to vector<1x256x64xf32>
    tpu.vector_store %arg12[%swap3A_811, %swap3A_812, %swap3A_813], %swap3A_816 {strides = array<i32>} : memref<12x256x64xf32, #tpu.memory_space<vmem>>, vector<1x256x64xf32>,
    %slice3A_817 = vector.extract_strided_slice %dot_general3A_44 {offsets = [0, 448], sizes = [256, 64], strides = [1, 1]} : vector<256x768xf32> to vector<256x64xf32>
    %swap3A_818 = arith.constant 7 : index
    %swap3A_819 = arith.constant 0 : index
    %swap3A_820 = arith.constant 0 : index
    %swap3A_821 = vector.load %arg13[%swap3A_818, %swap3A_819, %swap3A_820] : memref<12x256x64xf32, #tpu.memory_space<vmem>>, vector<1x256x64xf32>
    %swap3A_822 = vector.shape_cast %swap3A_821 : vector<1x256x64xf32> to vector<256x64xf32>
    %swap3A_823 = vector.shape_cast %slice3A_817 : vector<256x64xf32> to vector<1x256x64xf32>
    tpu.vector_store %arg13[%swap3A_818, %swap3A_819, %swap3A_820], %swap3A_823 {strides = array<i32>} : memref<12x256x64xf32, #tpu.memory_space<vmem>>, vector<1x256x64xf32>,
    %slice3A_824 = vector.extract_strided_slice %mul3A_60 {offsets = [0, 448], sizes = [256, 64], strides = [1, 1]} : vector<256x768xf32> to vector<256x64xf32>
    %swap3A_825 = arith.constant 7 : index
    %swap3A_826 = arith.constant 0 : index
    %swap3A_827 = arith.constant 0 : index
    %swap3A_828 = vector.load %arg14[%swap3A_825, %swap3A_826, %swap3A_827] : memref<12x256x64xf32, #tpu.memory_space<vmem>>, vector<1x256x64xf32>
    %swap3A_829 = vector.shape_cast %swap3A_828 : vector<1x256x64xf32> to vector<256x64xf32>
    %swap3A_830 = vector.shape_cast %slice3A_824 : vector<256x64xf32> to vector<1x256x64xf32>
    tpu.vector_store %arg14[%swap3A_825, %swap3A_826, %swap3A_827], %swap3A_830 {strides = array<i32>} : memref<12x256x64xf32, #tpu.memory_space<vmem>>, vector<1x256x64xf32>,
    %slice3A_831 = vector.extract_strided_slice %dot_general3A_30 {offsets = [0, 512], sizes = [256, 64], strides = [1, 1]} : vector<256x768xf32> to vector<256x64xf32>
    %reduce_sum3A_832 = arith.constant dense<0.000000e+00> : vector<256xf32>
    %reduce_sum3A_833 = vector.multi_reduction <add>, %slice3A_831, %reduce_sum3A_832 [1] : vector<256x64xf32> to vector<256xf32>
    %broadcast_in_dim3A_834 = vector.shape_cast %reduce_sum3A_833 : vector<256xf32> to vector<256x1xf32>
    %div3A_835 = arith.constant 6.400000e+01 : f32
    %div3A_836 = vector.broadcast %div3A_835 : f32 to vector<256x1xf32>
    %div3A_837 = arith.divf %broadcast_in_dim3A_834, %div3A_836 : vector<256x1xf32>
    %sub3A_838 = vector.broadcast %div3A_837 : vector<256x1xf32> to vector<256x64xf32>
    %sub3A_839 = arith.subf %slice3A_831, %sub3A_838 : vector<256x64xf32>
    %mul3A_840 = arith.mulf %sub3A_839, %sub3A_839 : vector<256x64xf32>
    %reduce_sum3A_841 = arith.constant dense<0.000000e+00> : vector<256xf32>
    %reduce_sum3A_842 = vector.multi_reduction <add>, %mul3A_840, %reduce_sum3A_841 [1] : vector<256x64xf32> to vector<256xf32>
    %broadcast_in_dim3A_843 = vector.shape_cast %reduce_sum3A_842 : vector<256xf32> to vector<256x1xf32>
    %div3A_844 = arith.constant 6.400000e+01 : f32
    %div3A_845 = vector.broadcast %div3A_844 : f32 to vector<256x1xf32>
    %div3A_846 = arith.divf %broadcast_in_dim3A_843, %div3A_845 : vector<256x1xf32>
    %add3A_847 = arith.constant 9.99999997E-7 : f32
    %add3A_848 = vector.broadcast %add3A_847 : f32 to vector<256x1xf32>
    %add3A_849 = arith.addf %div3A_846, %add3A_848 : vector<256x1xf32>
    %rsqrt3A_850 = math.rsqrt %add3A_849 : vector<256x1xf32>
    %mul3A_851 = vector.broadcast %rsqrt3A_850 : vector<256x1xf32> to vector<256x64xf32>
    %mul3A_852 = arith.mulf %sub3A_839, %mul3A_851 : vector<256x64xf32>
    %mul3A_853 = arith.constant 1.250000e-01 : f32
    %mul3A_854 = vector.broadcast %mul3A_853 : f32 to vector<256x64xf32>
    %mul3A_855 = arith.mulf %mul3A_852, %mul3A_854 : vector<256x64xf32>
    %slice3A_856 = vector.extract_strided_slice %dot_general3A_37 {offsets = [0, 512], sizes = [256, 64], strides = [1, 1]} : vector<256x768xf32> to vector<256x64xf32>
    %reduce_sum3A_857 = arith.constant dense<0.000000e+00> : vector<256xf32>
    %reduce_sum3A_858 = vector.multi_reduction <add>, %slice3A_856, %reduce_sum3A_857 [1] : vector<256x64xf32> to vector<256xf32>
    %broadcast_in_dim3A_859 = vector.shape_cast %reduce_sum3A_858 : vector<256xf32> to vector<256x1xf32>
    %div3A_860 = arith.constant 6.400000e+01 : f32
    %div3A_861 = vector.broadcast %div3A_860 : f32 to vector<256x1xf32>
    %div3A_862 = arith.divf %broadcast_in_dim3A_859, %div3A_861 : vector<256x1xf32>
    %sub3A_863 = vector.broadcast %div3A_862 : vector<256x1xf32> to vector<256x64xf32>
    %sub3A_864 = arith.subf %slice3A_856, %sub3A_863 : vector<256x64xf32>
    %mul3A_865 = arith.mulf %sub3A_864, %sub3A_864 : vector<256x64xf32>
    %reduce_sum3A_866 = arith.constant dense<0.000000e+00> : vector<256xf32>
    %reduce_sum3A_867 = vector.multi_reduction <add>, %mul3A_865, %reduce_sum3A_866 [1] : vector<256x64xf32> to vector<256xf32>
    %broadcast_in_dim3A_868 = vector.shape_cast %reduce_sum3A_867 : vector<256xf32> to vector<256x1xf32>
    %div3A_869 = arith.constant 6.400000e+01 : f32
    %div3A_870 = vector.broadcast %div3A_869 : f32 to vector<256x1xf32>
    %div3A_871 = arith.divf %broadcast_in_dim3A_868, %div3A_870 : vector<256x1xf32>
    %add3A_872 = arith.constant 9.99999997E-7 : f32
    %add3A_873 = vector.broadcast %add3A_872 : f32 to vector<256x1xf32>
    %add3A_874 = arith.addf %div3A_871, %add3A_873 : vector<256x1xf32>
    %rsqrt3A_875 = math.rsqrt %add3A_874 : vector<256x1xf32>
    %mul3A_876 = vector.broadcast %rsqrt3A_875 : vector<256x1xf32> to vector<256x64xf32>
    %mul3A_877 = arith.mulf %sub3A_864, %mul3A_876 : vector<256x64xf32>
    %get3A_878 = arith.constant 8 : index
    %get3A_879 = arith.constant 0 : index
    %get3A_880 = vector.load %arg8[%get3A_878, %get3A_879] : memref<12x64xf32, #tpu.memory_space<vmem>>, vector<1x64xf32>
    %get3A_881 = vector.shape_cast %get3A_880 : vector<1x64xf32> to vector<64xf32>
    %broadcast_in_dim3A_882 = vector.shape_cast %get3A_881 : vector<64xf32> to vector<1x64xf32>
    %add3A_883 = vector.broadcast %broadcast_in_dim3A_882 : vector<1x64xf32> to vector<256x64xf32>
    %add3A_884 = arith.addf %mul3A_855, %add3A_883 : vector<256x64xf32>
    %get3A_885 = arith.constant 8 : index
    %get3A_886 = arith.constant 0 : index
    %get3A_887 = vector.load %arg9[%get3A_885, %get3A_886] : memref<12x64xf32, #tpu.memory_space<vmem>>, vector<1x64xf32>
    %get3A_888 = vector.shape_cast %get3A_887 : vector<1x64xf32> to vector<64xf32>
    %broadcast_in_dim3A_889 = vector.shape_cast %get3A_888 : vector<64xf32> to vector<1x64xf32>
    %add3A_890 = vector.broadcast %broadcast_in_dim3A_889 : vector<1x64xf32> to vector<256x64xf32>
    %add3A_891 = arith.addf %mul3A_855, %add3A_890 : vector<256x64xf32>
    %slice3A_892 = vector.extract_strided_slice %add3A_891 {offsets = [0, 0], sizes = [256, 32], strides = [1, 1]} : vector<256x64xf32> to vector<256x32xf32>
    %slice3A_893 = vector.extract_strided_slice %add3A_891 {offsets = [0, 32], sizes = [256, 32], strides = [1, 1]} : vector<256x64xf32> to vector<256x32xf32>
    %mul3A_894 = arith.mulf %slice3A_892, %slice3A : vector<256x32xf32>
    %mul3A_895 = arith.mulf %slice3A_893, %slice3A_64 : vector<256x32xf32>
    %add3A_896 = arith.addf %mul3A_894, %mul3A_895 : vector<256x32xf32>
    %mul3A_897 = arith.mulf %slice3A_893, %slice3A : vector<256x32xf32>
    %mul3A_898 = arith.mulf %slice3A_892, %slice3A_64 : vector<256x32xf32>
    %sub3A_899 = arith.subf %mul3A_897, %mul3A_898 : vector<256x32xf32>
    %concatenate3A_900 = tpu.concatenate %add3A_884, %add3A_896, %sub3A_899 in 1 : vector<256x64xf32>, vector<256x32xf32>, vector<256x32xf32> -> vector<256x128xf32>
    %swap3A_901 = arith.constant 8 : index
    %swap3A_902 = arith.constant 0 : index
    %swap3A_903 = arith.constant 0 : index
    %swap3A_904 = vector.load %arg11[%swap3A_901, %swap3A_902, %swap3A_903] : memref<12x256x128xf32, #tpu.memory_space<vmem>>, vector<1x256x128xf32>
    %swap3A_905 = vector.shape_cast %swap3A_904 : vector<1x256x128xf32> to vector<256x128xf32>
    %swap3A_906 = vector.shape_cast %concatenate3A_900 : vector<256x128xf32> to vector<1x256x128xf32>
    tpu.vector_store %arg11[%swap3A_901, %swap3A_902, %swap3A_903], %swap3A_906 {strides = array<i32>} : memref<12x256x128xf32, #tpu.memory_space<vmem>>, vector<1x256x128xf32>,
    %swap3A_907 = arith.constant 8 : index
    %swap3A_908 = arith.constant 0 : index
    %swap3A_909 = arith.constant 0 : index
    %swap3A_910 = vector.load %arg12[%swap3A_907, %swap3A_908, %swap3A_909] : memref<12x256x64xf32, #tpu.memory_space<vmem>>, vector<1x256x64xf32>
    %swap3A_911 = vector.shape_cast %swap3A_910 : vector<1x256x64xf32> to vector<256x64xf32>
    %swap3A_912 = vector.shape_cast %mul3A_877 : vector<256x64xf32> to vector<1x256x64xf32>
    tpu.vector_store %arg12[%swap3A_907, %swap3A_908, %swap3A_909], %swap3A_912 {strides = array<i32>} : memref<12x256x64xf32, #tpu.memory_space<vmem>>, vector<1x256x64xf32>,
    %slice3A_913 = vector.extract_strided_slice %dot_general3A_44 {offsets = [0, 512], sizes = [256, 64], strides = [1, 1]} : vector<256x768xf32> to vector<256x64xf32>
    %swap3A_914 = arith.constant 8 : index
    %swap3A_915 = arith.constant 0 : index
    %swap3A_916 = arith.constant 0 : index
    %swap3A_917 = vector.load %arg13[%swap3A_914, %swap3A_915, %swap3A_916] : memref<12x256x64xf32, #tpu.memory_space<vmem>>, vector<1x256x64xf32>
    %swap3A_918 = vector.shape_cast %swap3A_917 : vector<1x256x64xf32> to vector<256x64xf32>
    %swap3A_919 = vector.shape_cast %slice3A_913 : vector<256x64xf32> to vector<1x256x64xf32>
    tpu.vector_store %arg13[%swap3A_914, %swap3A_915, %swap3A_916], %swap3A_919 {strides = array<i32>} : memref<12x256x64xf32, #tpu.memory_space<vmem>>, vector<1x256x64xf32>,
    %slice3A_920 = vector.extract_strided_slice %mul3A_60 {offsets = [0, 512], sizes = [256, 64], strides = [1, 1]} : vector<256x768xf32> to vector<256x64xf32>
    %swap3A_921 = arith.constant 8 : index
    %swap3A_922 = arith.constant 0 : index
    %swap3A_923 = arith.constant 0 : index
    %swap3A_924 = vector.load %arg14[%swap3A_921, %swap3A_922, %swap3A_923] : memref<12x256x64xf32, #tpu.memory_space<vmem>>, vector<1x256x64xf32>
    %swap3A_925 = vector.shape_cast %swap3A_924 : vector<1x256x64xf32> to vector<256x64xf32>
    %swap3A_926 = vector.shape_cast %slice3A_920 : vector<256x64xf32> to vector<1x256x64xf32>
    tpu.vector_store %arg14[%swap3A_921, %swap3A_922, %swap3A_923], %swap3A_926 {strides = array<i32>} : memref<12x256x64xf32, #tpu.memory_space<vmem>>, vector<1x256x64xf32>,
    %slice3A_927 = vector.extract_strided_slice %dot_general3A_30 {offsets = [0, 576], sizes = [256, 64], strides = [1, 1]} : vector<256x768xf32> to vector<256x64xf32>
    %reduce_sum3A_928 = arith.constant dense<0.000000e+00> : vector<256xf32>
    %reduce_sum3A_929 = vector.multi_reduction <add>, %slice3A_927, %reduce_sum3A_928 [1] : vector<256x64xf32> to vector<256xf32>
    %broadcast_in_dim3A_930 = vector.shape_cast %reduce_sum3A_929 : vector<256xf32> to vector<256x1xf32>
    %div3A_931 = arith.constant 6.400000e+01 : f32
    %div3A_932 = vector.broadcast %div3A_931 : f32 to vector<256x1xf32>
    %div3A_933 = arith.divf %broadcast_in_dim3A_930, %div3A_932 : vector<256x1xf32>
    %sub3A_934 = vector.broadcast %div3A_933 : vector<256x1xf32> to vector<256x64xf32>
    %sub3A_935 = arith.subf %slice3A_927, %sub3A_934 : vector<256x64xf32>
    %mul3A_936 = arith.mulf %sub3A_935, %sub3A_935 : vector<256x64xf32>
    %reduce_sum3A_937 = arith.constant dense<0.000000e+00> : vector<256xf32>
    %reduce_sum3A_938 = vector.multi_reduction <add>, %mul3A_936, %reduce_sum3A_937 [1] : vector<256x64xf32> to vector<256xf32>
    %broadcast_in_dim3A_939 = vector.shape_cast %reduce_sum3A_938 : vector<256xf32> to vector<256x1xf32>
    %div3A_940 = arith.constant 6.400000e+01 : f32
    %div3A_941 = vector.broadcast %div3A_940 : f32 to vector<256x1xf32>
    %div3A_942 = arith.divf %broadcast_in_dim3A_939, %div3A_941 : vector<256x1xf32>
    %add3A_943 = arith.constant 9.99999997E-7 : f32
    %add3A_944 = vector.broadcast %add3A_943 : f32 to vector<256x1xf32>
    %add3A_945 = arith.addf %div3A_942, %add3A_944 : vector<256x1xf32>
    %rsqrt3A_946 = math.rsqrt %add3A_945 : vector<256x1xf32>
    %mul3A_947 = vector.broadcast %rsqrt3A_946 : vector<256x1xf32> to vector<256x64xf32>
    %mul3A_948 = arith.mulf %sub3A_935, %mul3A_947 : vector<256x64xf32>
    %mul3A_949 = arith.constant 1.250000e-01 : f32
    %mul3A_950 = vector.broadcast %mul3A_949 : f32 to vector<256x64xf32>
    %mul3A_951 = arith.mulf %mul3A_948, %mul3A_950 : vector<256x64xf32>
    %slice3A_952 = vector.extract_strided_slice %dot_general3A_37 {offsets = [0, 576], sizes = [256, 64], strides = [1, 1]} : vector<256x768xf32> to vector<256x64xf32>
    %reduce_sum3A_953 = arith.constant dense<0.000000e+00> : vector<256xf32>
    %reduce_sum3A_954 = vector.multi_reduction <add>, %slice3A_952, %reduce_sum3A_953 [1] : vector<256x64xf32> to vector<256xf32>
    %broadcast_in_dim3A_955 = vector.shape_cast %reduce_sum3A_954 : vector<256xf32> to vector<256x1xf32>
    %div3A_956 = arith.constant 6.400000e+01 : f32
    %div3A_957 = vector.broadcast %div3A_956 : f32 to vector<256x1xf32>
    %div3A_958 = arith.divf %broadcast_in_dim3A_955, %div3A_957 : vector<256x1xf32>
    %sub3A_959 = vector.broadcast %div3A_958 : vector<256x1xf32> to vector<256x64xf32>
    %sub3A_960 = arith.subf %slice3A_952, %sub3A_959 : vector<256x64xf32>
    %mul3A_961 = arith.mulf %sub3A_960, %sub3A_960 : vector<256x64xf32>
    %reduce_sum3A_962 = arith.constant dense<0.000000e+00> : vector<256xf32>
    %reduce_sum3A_963 = vector.multi_reduction <add>, %mul3A_961, %reduce_sum3A_962 [1] : vector<256x64xf32> to vector<256xf32>
    %broadcast_in_dim3A_964 = vector.shape_cast %reduce_sum3A_963 : vector<256xf32> to vector<256x1xf32>
    %div3A_965 = arith.constant 6.400000e+01 : f32
    %div3A_966 = vector.broadcast %div3A_965 : f32 to vector<256x1xf32>
    %div3A_967 = arith.divf %broadcast_in_dim3A_964, %div3A_966 : vector<256x1xf32>
    %add3A_968 = arith.constant 9.99999997E-7 : f32
    %add3A_969 = vector.broadcast %add3A_968 : f32 to vector<256x1xf32>
    %add3A_970 = arith.addf %div3A_967, %add3A_969 : vector<256x1xf32>
    %rsqrt3A_971 = math.rsqrt %add3A_970 : vector<256x1xf32>
    %mul3A_972 = vector.broadcast %rsqrt3A_971 : vector<256x1xf32> to vector<256x64xf32>
    %mul3A_973 = arith.mulf %sub3A_960, %mul3A_972 : vector<256x64xf32>
    %get3A_974 = arith.constant 9 : index
    %get3A_975 = arith.constant 0 : index
    %get3A_976 = vector.load %arg8[%get3A_974, %get3A_975] : memref<12x64xf32, #tpu.memory_space<vmem>>, vector<1x64xf32>
    %get3A_977 = vector.shape_cast %get3A_976 : vector<1x64xf32> to vector<64xf32>
    %broadcast_in_dim3A_978 = vector.shape_cast %get3A_977 : vector<64xf32> to vector<1x64xf32>
    %add3A_979 = vector.broadcast %broadcast_in_dim3A_978 : vector<1x64xf32> to vector<256x64xf32>
    %add3A_980 = arith.addf %mul3A_951, %add3A_979 : vector<256x64xf32>
    %get3A_981 = arith.constant 9 : index
    %get3A_982 = arith.constant 0 : index
    %get3A_983 = vector.load %arg9[%get3A_981, %get3A_982] : memref<12x64xf32, #tpu.memory_space<vmem>>, vector<1x64xf32>
    %get3A_984 = vector.shape_cast %get3A_983 : vector<1x64xf32> to vector<64xf32>
    %broadcast_in_dim3A_985 = vector.shape_cast %get3A_984 : vector<64xf32> to vector<1x64xf32>
    %add3A_986 = vector.broadcast %broadcast_in_dim3A_985 : vector<1x64xf32> to vector<256x64xf32>
    %add3A_987 = arith.addf %mul3A_951, %add3A_986 : vector<256x64xf32>
    %slice3A_988 = vector.extract_strided_slice %add3A_987 {offsets = [0, 0], sizes = [256, 32], strides = [1, 1]} : vector<256x64xf32> to vector<256x32xf32>
    %slice3A_989 = vector.extract_strided_slice %add3A_987 {offsets = [0, 32], sizes = [256, 32], strides = [1, 1]} : vector<256x64xf32> to vector<256x32xf32>
    %mul3A_990 = arith.mulf %slice3A_988, %slice3A : vector<256x32xf32>
    %mul3A_991 = arith.mulf %slice3A_989, %slice3A_64 : vector<256x32xf32>
    %add3A_992 = arith.addf %mul3A_990, %mul3A_991 : vector<256x32xf32>
    %mul3A_993 = arith.mulf %slice3A_989, %slice3A : vector<256x32xf32>
    %mul3A_994 = arith.mulf %slice3A_988, %slice3A_64 : vector<256x32xf32>
    %sub3A_995 = arith.subf %mul3A_993, %mul3A_994 : vector<256x32xf32>
    %concatenate3A_996 = tpu.concatenate %add3A_980, %add3A_992, %sub3A_995 in 1 : vector<256x64xf32>, vector<256x32xf32>, vector<256x32xf32> -> vector<256x128xf32>
    %swap3A_997 = arith.constant 9 : index
    %swap3A_998 = arith.constant 0 : index
    %swap3A_999 = arith.constant 0 : index
    %swap3A_1000 = vector.load %arg11[%swap3A_997, %swap3A_998, %swap3A_999] : memref<12x256x128xf32, #tpu.memory_space<vmem>>, vector<1x256x128xf32>
    %swap3A_1001 = vector.shape_cast %swap3A_1000 : vector<1x256x128xf32> to vector<256x128xf32>
    %swap3A_1002 = vector.shape_cast %concatenate3A_996 : vector<256x128xf32> to vector<1x256x128xf32>
    tpu.vector_store %arg11[%swap3A_997, %swap3A_998, %swap3A_999], %swap3A_1002 {strides = array<i32>} : memref<12x256x128xf32, #tpu.memory_space<vmem>>, vector<1x256x128xf32>,
    %swap3A_1003 = arith.constant 9 : index
    %swap3A_1004 = arith.constant 0 : index
    %swap3A_1005 = arith.constant 0 : index
    %swap3A_1006 = vector.load %arg12[%swap3A_1003, %swap3A_1004, %swap3A_1005] : memref<12x256x64xf32, #tpu.memory_space<vmem>>, vector<1x256x64xf32>
    %swap3A_1007 = vector.shape_cast %swap3A_1006 : vector<1x256x64xf32> to vector<256x64xf32>
    %swap3A_1008 = vector.shape_cast %mul3A_973 : vector<256x64xf32> to vector<1x256x64xf32>
    tpu.vector_store %arg12[%swap3A_1003, %swap3A_1004, %swap3A_1005], %swap3A_1008 {strides = array<i32>} : memref<12x256x64xf32, #tpu.memory_space<vmem>>, vector<1x256x64xf32>,
    %slice3A_1009 = vector.extract_strided_slice %dot_general3A_44 {offsets = [0, 576], sizes = [256, 64], strides = [1, 1]} : vector<256x768xf32> to vector<256x64xf32>
    %swap3A_1010 = arith.constant 9 : index
    %swap3A_1011 = arith.constant 0 : index
    %swap3A_1012 = arith.constant 0 : index
    %swap3A_1013 = vector.load %arg13[%swap3A_1010, %swap3A_1011, %swap3A_1012] : memref<12x256x64xf32, #tpu.memory_space<vmem>>, vector<1x256x64xf32>
    %swap3A_1014 = vector.shape_cast %swap3A_1013 : vector<1x256x64xf32> to vector<256x64xf32>
    %swap3A_1015 = vector.shape_cast %slice3A_1009 : vector<256x64xf32> to vector<1x256x64xf32>
    tpu.vector_store %arg13[%swap3A_1010, %swap3A_1011, %swap3A_1012], %swap3A_1015 {strides = array<i32>} : memref<12x256x64xf32, #tpu.memory_space<vmem>>, vector<1x256x64xf32>,
    %slice3A_1016 = vector.extract_strided_slice %mul3A_60 {offsets = [0, 576], sizes = [256, 64], strides = [1, 1]} : vector<256x768xf32> to vector<256x64xf32>
    %swap3A_1017 = arith.constant 9 : index
    %swap3A_1018 = arith.constant 0 : index
    %swap3A_1019 = arith.constant 0 : index
    %swap3A_1020 = vector.load %arg14[%swap3A_1017, %swap3A_1018, %swap3A_1019] : memref<12x256x64xf32, #tpu.memory_space<vmem>>, vector<1x256x64xf32>
    %swap3A_1021 = vector.shape_cast %swap3A_1020 : vector<1x256x64xf32> to vector<256x64xf32>
    %swap3A_1022 = vector.shape_cast %slice3A_1016 : vector<256x64xf32> to vector<1x256x64xf32>
    tpu.vector_store %arg14[%swap3A_1017, %swap3A_1018, %swap3A_1019], %swap3A_1022 {strides = array<i32>} : memref<12x256x64xf32, #tpu.memory_space<vmem>>, vector<1x256x64xf32>,
    %slice3A_1023 = vector.extract_strided_slice %dot_general3A_30 {offsets = [0, 640], sizes = [256, 64], strides = [1, 1]} : vector<256x768xf32> to vector<256x64xf32>
    %reduce_sum3A_1024 = arith.constant dense<0.000000e+00> : vector<256xf32>
    %reduce_sum3A_1025 = vector.multi_reduction <add>, %slice3A_1023, %reduce_sum3A_1024 [1] : vector<256x64xf32> to vector<256xf32>
    %broadcast_in_dim3A_1026 = vector.shape_cast %reduce_sum3A_1025 : vector<256xf32> to vector<256x1xf32>
    %div3A_1027 = arith.constant 6.400000e+01 : f32
    %div3A_1028 = vector.broadcast %div3A_1027 : f32 to vector<256x1xf32>
    %div3A_1029 = arith.divf %broadcast_in_dim3A_1026, %div3A_1028 : vector<256x1xf32>
    %sub3A_1030 = vector.broadcast %div3A_1029 : vector<256x1xf32> to vector<256x64xf32>
    %sub3A_1031 = arith.subf %slice3A_1023, %sub3A_1030 : vector<256x64xf32>
    %mul3A_1032 = arith.mulf %sub3A_1031, %sub3A_1031 : vector<256x64xf32>
    %reduce_sum3A_1033 = arith.constant dense<0.000000e+00> : vector<256xf32>
    %reduce_sum3A_1034 = vector.multi_reduction <add>, %mul3A_1032, %reduce_sum3A_1033 [1] : vector<256x64xf32> to vector<256xf32>
    %broadcast_in_dim3A_1035 = vector.shape_cast %reduce_sum3A_1034 : vector<256xf32> to vector<256x1xf32>
    %div3A_1036 = arith.constant 6.400000e+01 : f32
    %div3A_1037 = vector.broadcast %div3A_1036 : f32 to vector<256x1xf32>
    %div3A_1038 = arith.divf %broadcast_in_dim3A_1035, %div3A_1037 : vector<256x1xf32>
    %add3A_1039 = arith.constant 9.99999997E-7 : f32
    %add3A_1040 = vector.broadcast %add3A_1039 : f32 to vector<256x1xf32>
    %add3A_1041 = arith.addf %div3A_1038, %add3A_1040 : vector<256x1xf32>
    %rsqrt3A_1042 = math.rsqrt %add3A_1041 : vector<256x1xf32>
    %mul3A_1043 = vector.broadcast %rsqrt3A_1042 : vector<256x1xf32> to vector<256x64xf32>
    %mul3A_1044 = arith.mulf %sub3A_1031, %mul3A_1043 : vector<256x64xf32>
    %mul3A_1045 = arith.constant 1.250000e-01 : f32
    %mul3A_1046 = vector.broadcast %mul3A_1045 : f32 to vector<256x64xf32>
    %mul3A_1047 = arith.mulf %mul3A_1044, %mul3A_1046 : vector<256x64xf32>
    %slice3A_1048 = vector.extract_strided_slice %dot_general3A_37 {offsets = [0, 640], sizes = [256, 64], strides = [1, 1]} : vector<256x768xf32> to vector<256x64xf32>
    %reduce_sum3A_1049 = arith.constant dense<0.000000e+00> : vector<256xf32>
    %reduce_sum3A_1050 = vector.multi_reduction <add>, %slice3A_1048, %reduce_sum3A_1049 [1] : vector<256x64xf32> to vector<256xf32>
    %broadcast_in_dim3A_1051 = vector.shape_cast %reduce_sum3A_1050 : vector<256xf32> to vector<256x1xf32>
    %div3A_1052 = arith.constant 6.400000e+01 : f32
    %div3A_1053 = vector.broadcast %div3A_1052 : f32 to vector<256x1xf32>
    %div3A_1054 = arith.divf %broadcast_in_dim3A_1051, %div3A_1053 : vector<256x1xf32>
    %sub3A_1055 = vector.broadcast %div3A_1054 : vector<256x1xf32> to vector<256x64xf32>
    %sub3A_1056 = arith.subf %slice3A_1048, %sub3A_1055 : vector<256x64xf32>
    %mul3A_1057 = arith.mulf %sub3A_1056, %sub3A_1056 : vector<256x64xf32>
    %reduce_sum3A_1058 = arith.constant dense<0.000000e+00> : vector<256xf32>
    %reduce_sum3A_1059 = vector.multi_reduction <add>, %mul3A_1057, %reduce_sum3A_1058 [1] : vector<256x64xf32> to vector<256xf32>
    %broadcast_in_dim3A_1060 = vector.shape_cast %reduce_sum3A_1059 : vector<256xf32> to vector<256x1xf32>
    %div3A_1061 = arith.constant 6.400000e+01 : f32
    %div3A_1062 = vector.broadcast %div3A_1061 : f32 to vector<256x1xf32>
    %div3A_1063 = arith.divf %broadcast_in_dim3A_1060, %div3A_1062 : vector<256x1xf32>
    %add3A_1064 = arith.constant 9.99999997E-7 : f32
    %add3A_1065 = vector.broadcast %add3A_1064 : f32 to vector<256x1xf32>
    %add3A_1066 = arith.addf %div3A_1063, %add3A_1065 : vector<256x1xf32>
    %rsqrt3A_1067 = math.rsqrt %add3A_1066 : vector<256x1xf32>
    %mul3A_1068 = vector.broadcast %rsqrt3A_1067 : vector<256x1xf32> to vector<256x64xf32>
    %mul3A_1069 = arith.mulf %sub3A_1056, %mul3A_1068 : vector<256x64xf32>
    %get3A_1070 = arith.constant 10 : index
    %get3A_1071 = arith.constant 0 : index
    %get3A_1072 = vector.load %arg8[%get3A_1070, %get3A_1071] : memref<12x64xf32, #tpu.memory_space<vmem>>, vector<1x64xf32>
    %get3A_1073 = vector.shape_cast %get3A_1072 : vector<1x64xf32> to vector<64xf32>
    %broadcast_in_dim3A_1074 = vector.shape_cast %get3A_1073 : vector<64xf32> to vector<1x64xf32>
    %add3A_1075 = vector.broadcast %broadcast_in_dim3A_1074 : vector<1x64xf32> to vector<256x64xf32>
    %add3A_1076 = arith.addf %mul3A_1047, %add3A_1075 : vector<256x64xf32>
    %get3A_1077 = arith.constant 10 : index
    %get3A_1078 = arith.constant 0 : index
    %get3A_1079 = vector.load %arg9[%get3A_1077, %get3A_1078] : memref<12x64xf32, #tpu.memory_space<vmem>>, vector<1x64xf32>
    %get3A_1080 = vector.shape_cast %get3A_1079 : vector<1x64xf32> to vector<64xf32>
    %broadcast_in_dim3A_1081 = vector.shape_cast %get3A_1080 : vector<64xf32> to vector<1x64xf32>
    %add3A_1082 = vector.broadcast %broadcast_in_dim3A_1081 : vector<1x64xf32> to vector<256x64xf32>
    %add3A_1083 = arith.addf %mul3A_1047, %add3A_1082 : vector<256x64xf32>
    %slice3A_1084 = vector.extract_strided_slice %add3A_1083 {offsets = [0, 0], sizes = [256, 32], strides = [1, 1]} : vector<256x64xf32> to vector<256x32xf32>
    %slice3A_1085 = vector.extract_strided_slice %add3A_1083 {offsets = [0, 32], sizes = [256, 32], strides = [1, 1]} : vector<256x64xf32> to vector<256x32xf32>
    %mul3A_1086 = arith.mulf %slice3A_1084, %slice3A : vector<256x32xf32>
    %mul3A_1087 = arith.mulf %slice3A_1085, %slice3A_64 : vector<256x32xf32>
    %add3A_1088 = arith.addf %mul3A_1086, %mul3A_1087 : vector<256x32xf32>
    %mul3A_1089 = arith.mulf %slice3A_1085, %slice3A : vector<256x32xf32>
    %mul3A_1090 = arith.mulf %slice3A_1084, %slice3A_64 : vector<256x32xf32>
    %sub3A_1091 = arith.subf %mul3A_1089, %mul3A_1090 : vector<256x32xf32>
    %concatenate3A_1092 = tpu.concatenate %add3A_1076, %add3A_1088, %sub3A_1091 in 1 : vector<256x64xf32>, vector<256x32xf32>, vector<256x32xf32> -> vector<256x128xf32>
    %swap3A_1093 = arith.constant 10 : index
    %swap3A_1094 = arith.constant 0 : index
    %swap3A_1095 = arith.constant 0 : index
    %swap3A_1096 = vector.load %arg11[%swap3A_1093, %swap3A_1094, %swap3A_1095] : memref<12x256x128xf32, #tpu.memory_space<vmem>>, vector<1x256x128xf32>
    %swap3A_1097 = vector.shape_cast %swap3A_1096 : vector<1x256x128xf32> to vector<256x128xf32>
    %swap3A_1098 = vector.shape_cast %concatenate3A_1092 : vector<256x128xf32> to vector<1x256x128xf32>
    tpu.vector_store %arg11[%swap3A_1093, %swap3A_1094, %swap3A_1095], %swap3A_1098 {strides = array<i32>} : memref<12x256x128xf32, #tpu.memory_space<vmem>>, vector<1x256x128xf32>,
    %swap3A_1099 = arith.constant 10 : index
    %swap3A_1100 = arith.constant 0 : index
    %swap3A_1101 = arith.constant 0 : index
    %swap3A_1102 = vector.load %arg12[%swap3A_1099, %swap3A_1100, %swap3A_1101] : memref<12x256x64xf32, #tpu.memory_space<vmem>>, vector<1x256x64xf32>
    %swap3A_1103 = vector.shape_cast %swap3A_1102 : vector<1x256x64xf32> to vector<256x64xf32>
    %swap3A_1104 = vector.shape_cast %mul3A_1069 : vector<256x64xf32> to vector<1x256x64xf32>
    tpu.vector_store %arg12[%swap3A_1099, %swap3A_1100, %swap3A_1101], %swap3A_1104 {strides = array<i32>} : memref<12x256x64xf32, #tpu.memory_space<vmem>>, vector<1x256x64xf32>,
    %slice3A_1105 = vector.extract_strided_slice %dot_general3A_44 {offsets = [0, 640], sizes = [256, 64], strides = [1, 1]} : vector<256x768xf32> to vector<256x64xf32>
    %swap3A_1106 = arith.constant 10 : index
    %swap3A_1107 = arith.constant 0 : index
    %swap3A_1108 = arith.constant 0 : index
    %swap3A_1109 = vector.load %arg13[%swap3A_1106, %swap3A_1107, %swap3A_1108] : memref<12x256x64xf32, #tpu.memory_space<vmem>>, vector<1x256x64xf32>
    %swap3A_1110 = vector.shape_cast %swap3A_1109 : vector<1x256x64xf32> to vector<256x64xf32>
    %swap3A_1111 = vector.shape_cast %slice3A_1105 : vector<256x64xf32> to vector<1x256x64xf32>
    tpu.vector_store %arg13[%swap3A_1106, %swap3A_1107, %swap3A_1108], %swap3A_1111 {strides = array<i32>} : memref<12x256x64xf32, #tpu.memory_space<vmem>>, vector<1x256x64xf32>,
    %slice3A_1112 = vector.extract_strided_slice %mul3A_60 {offsets = [0, 640], sizes = [256, 64], strides = [1, 1]} : vector<256x768xf32> to vector<256x64xf32>
    %swap3A_1113 = arith.constant 10 : index
    %swap3A_1114 = arith.constant 0 : index
    %swap3A_1115 = arith.constant 0 : index
    %swap3A_1116 = vector.load %arg14[%swap3A_1113, %swap3A_1114, %swap3A_1115] : memref<12x256x64xf32, #tpu.memory_space<vmem>>, vector<1x256x64xf32>
    %swap3A_1117 = vector.shape_cast %swap3A_1116 : vector<1x256x64xf32> to vector<256x64xf32>
    %swap3A_1118 = vector.shape_cast %slice3A_1112 : vector<256x64xf32> to vector<1x256x64xf32>
    tpu.vector_store %arg14[%swap3A_1113, %swap3A_1114, %swap3A_1115], %swap3A_1118 {strides = array<i32>} : memref<12x256x64xf32, #tpu.memory_space<vmem>>, vector<1x256x64xf32>,
    %slice3A_1119 = vector.extract_strided_slice %dot_general3A_30 {offsets = [0, 704], sizes = [256, 64], strides = [1, 1]} : vector<256x768xf32> to vector<256x64xf32>
    %reduce_sum3A_1120 = arith.constant dense<0.000000e+00> : vector<256xf32>
    %reduce_sum3A_1121 = vector.multi_reduction <add>, %slice3A_1119, %reduce_sum3A_1120 [1] : vector<256x64xf32> to vector<256xf32>
    %broadcast_in_dim3A_1122 = vector.shape_cast %reduce_sum3A_1121 : vector<256xf32> to vector<256x1xf32>
    %div3A_1123 = arith.constant 6.400000e+01 : f32
    %div3A_1124 = vector.broadcast %div3A_1123 : f32 to vector<256x1xf32>
    %div3A_1125 = arith.divf %broadcast_in_dim3A_1122, %div3A_1124 : vector<256x1xf32>
    %sub3A_1126 = vector.broadcast %div3A_1125 : vector<256x1xf32> to vector<256x64xf32>
    %sub3A_1127 = arith.subf %slice3A_1119, %sub3A_1126 : vector<256x64xf32>
    %mul3A_1128 = arith.mulf %sub3A_1127, %sub3A_1127 : vector<256x64xf32>
    %reduce_sum3A_1129 = arith.constant dense<0.000000e+00> : vector<256xf32>
    %reduce_sum3A_1130 = vector.multi_reduction <add>, %mul3A_1128, %reduce_sum3A_1129 [1] : vector<256x64xf32> to vector<256xf32>
    %broadcast_in_dim3A_1131 = vector.shape_cast %reduce_sum3A_1130 : vector<256xf32> to vector<256x1xf32>
    %div3A_1132 = arith.constant 6.400000e+01 : f32
    %div3A_1133 = vector.broadcast %div3A_1132 : f32 to vector<256x1xf32>
    %div3A_1134 = arith.divf %broadcast_in_dim3A_1131, %div3A_1133 : vector<256x1xf32>
    %add3A_1135 = arith.constant 9.99999997E-7 : f32
    %add3A_1136 = vector.broadcast %add3A_1135 : f32 to vector<256x1xf32>
    %add3A_1137 = arith.addf %div3A_1134, %add3A_1136 : vector<256x1xf32>
    %rsqrt3A_1138 = math.rsqrt %add3A_1137 : vector<256x1xf32>
    %mul3A_1139 = vector.broadcast %rsqrt3A_1138 : vector<256x1xf32> to vector<256x64xf32>
    %mul3A_1140 = arith.mulf %sub3A_1127, %mul3A_1139 : vector<256x64xf32>
    %mul3A_1141 = arith.constant 1.250000e-01 : f32
    %mul3A_1142 = vector.broadcast %mul3A_1141 : f32 to vector<256x64xf32>
    %mul3A_1143 = arith.mulf %mul3A_1140, %mul3A_1142 : vector<256x64xf32>
    %slice3A_1144 = vector.extract_strided_slice %dot_general3A_37 {offsets = [0, 704], sizes = [256, 64], strides = [1, 1]} : vector<256x768xf32> to vector<256x64xf32>
    %reduce_sum3A_1145 = arith.constant dense<0.000000e+00> : vector<256xf32>
    %reduce_sum3A_1146 = vector.multi_reduction <add>, %slice3A_1144, %reduce_sum3A_1145 [1] : vector<256x64xf32> to vector<256xf32>
    %broadcast_in_dim3A_1147 = vector.shape_cast %reduce_sum3A_1146 : vector<256xf32> to vector<256x1xf32>
    %div3A_1148 = arith.constant 6.400000e+01 : f32
    %div3A_1149 = vector.broadcast %div3A_1148 : f32 to vector<256x1xf32>
    %div3A_1150 = arith.divf %broadcast_in_dim3A_1147, %div3A_1149 : vector<256x1xf32>
    %sub3A_1151 = vector.broadcast %div3A_1150 : vector<256x1xf32> to vector<256x64xf32>
    %sub3A_1152 = arith.subf %slice3A_1144, %sub3A_1151 : vector<256x64xf32>
    %mul3A_1153 = arith.mulf %sub3A_1152, %sub3A_1152 : vector<256x64xf32>
    %reduce_sum3A_1154 = arith.constant dense<0.000000e+00> : vector<256xf32>
    %reduce_sum3A_1155 = vector.multi_reduction <add>, %mul3A_1153, %reduce_sum3A_1154 [1] : vector<256x64xf32> to vector<256xf32>
    %broadcast_in_dim3A_1156 = vector.shape_cast %reduce_sum3A_1155 : vector<256xf32> to vector<256x1xf32>
    %div3A_1157 = arith.constant 6.400000e+01 : f32
    %div3A_1158 = vector.broadcast %div3A_1157 : f32 to vector<256x1xf32>
    %div3A_1159 = arith.divf %broadcast_in_dim3A_1156, %div3A_1158 : vector<256x1xf32>
    %add3A_1160 = arith.constant 9.99999997E-7 : f32
    %add3A_1161 = vector.broadcast %add3A_1160 : f32 to vector<256x1xf32>
    %add3A_1162 = arith.addf %div3A_1159, %add3A_1161 : vector<256x1xf32>
    %rsqrt3A_1163 = math.rsqrt %add3A_1162 : vector<256x1xf32>
    %mul3A_1164 = vector.broadcast %rsqrt3A_1163 : vector<256x1xf32> to vector<256x64xf32>
    %mul3A_1165 = arith.mulf %sub3A_1152, %mul3A_1164 : vector<256x64xf32>
    %get3A_1166 = arith.constant 11 : index
    %get3A_1167 = arith.constant 0 : index
    %get3A_1168 = vector.load %arg8[%get3A_1166, %get3A_1167] : memref<12x64xf32, #tpu.memory_space<vmem>>, vector<1x64xf32>
    %get3A_1169 = vector.shape_cast %get3A_1168 : vector<1x64xf32> to vector<64xf32>
    %broadcast_in_dim3A_1170 = vector.shape_cast %get3A_1169 : vector<64xf32> to vector<1x64xf32>
    %add3A_1171 = vector.broadcast %broadcast_in_dim3A_1170 : vector<1x64xf32> to vector<256x64xf32>
    %add3A_1172 = arith.addf %mul3A_1143, %add3A_1171 : vector<256x64xf32>
    %get3A_1173 = arith.constant 11 : index
    %get3A_1174 = arith.constant 0 : index
    %get3A_1175 = vector.load %arg9[%get3A_1173, %get3A_1174] : memref<12x64xf32, #tpu.memory_space<vmem>>, vector<1x64xf32>
    %get3A_1176 = vector.shape_cast %get3A_1175 : vector<1x64xf32> to vector<64xf32>
    %broadcast_in_dim3A_1177 = vector.shape_cast %get3A_1176 : vector<64xf32> to vector<1x64xf32>
    %add3A_1178 = vector.broadcast %broadcast_in_dim3A_1177 : vector<1x64xf32> to vector<256x64xf32>
    %add3A_1179 = arith.addf %mul3A_1143, %add3A_1178 : vector<256x64xf32>
    %slice3A_1180 = vector.extract_strided_slice %add3A_1179 {offsets = [0, 0], sizes = [256, 32], strides = [1, 1]} : vector<256x64xf32> to vector<256x32xf32>
    %slice3A_1181 = vector.extract_strided_slice %add3A_1179 {offsets = [0, 32], sizes = [256, 32], strides = [1, 1]} : vector<256x64xf32> to vector<256x32xf32>
    %mul3A_1182 = arith.mulf %slice3A_1180, %slice3A : vector<256x32xf32>
    %mul3A_1183 = arith.mulf %slice3A_1181, %slice3A_64 : vector<256x32xf32>
    %add3A_1184 = arith.addf %mul3A_1182, %mul3A_1183 : vector<256x32xf32>
    %mul3A_1185 = arith.mulf %slice3A_1181, %slice3A : vector<256x32xf32>
    %mul3A_1186 = arith.mulf %slice3A_1180, %slice3A_64 : vector<256x32xf32>
    %sub3A_1187 = arith.subf %mul3A_1185, %mul3A_1186 : vector<256x32xf32>
    %concatenate3A_1188 = tpu.concatenate %add3A_1172, %add3A_1184, %sub3A_1187 in 1 : vector<256x64xf32>, vector<256x32xf32>, vector<256x32xf32> -> vector<256x128xf32>
    %swap3A_1189 = arith.constant 11 : index
    %swap3A_1190 = arith.constant 0 : index
    %swap3A_1191 = arith.constant 0 : index
    %swap3A_1192 = vector.load %arg11[%swap3A_1189, %swap3A_1190, %swap3A_1191] : memref<12x256x128xf32, #tpu.memory_space<vmem>>, vector<1x256x128xf32>
    %swap3A_1193 = vector.shape_cast %swap3A_1192 : vector<1x256x128xf32> to vector<256x128xf32>
    %swap3A_1194 = vector.shape_cast %concatenate3A_1188 : vector<256x128xf32> to vector<1x256x128xf32>
    tpu.vector_store %arg11[%swap3A_1189, %swap3A_1190, %swap3A_1191], %swap3A_1194 {strides = array<i32>} : memref<12x256x128xf32, #tpu.memory_space<vmem>>, vector<1x256x128xf32>,
    %swap3A_1195 = arith.constant 11 : index
    %swap3A_1196 = arith.constant 0 : index
    %swap3A_1197 = arith.constant 0 : index
    %swap3A_1198 = vector.load %arg12[%swap3A_1195, %swap3A_1196, %swap3A_1197] : memref<12x256x64xf32, #tpu.memory_space<vmem>>, vector<1x256x64xf32>
    %swap3A_1199 = vector.shape_cast %swap3A_1198 : vector<1x256x64xf32> to vector<256x64xf32>
    %swap3A_1200 = vector.shape_cast %mul3A_1165 : vector<256x64xf32> to vector<1x256x64xf32>
    tpu.vector_store %arg12[%swap3A_1195, %swap3A_1196, %swap3A_1197], %swap3A_1200 {strides = array<i32>} : memref<12x256x64xf32, #tpu.memory_space<vmem>>, vector<1x256x64xf32>,
    %slice3A_1201 = vector.extract_strided_slice %dot_general3A_44 {offsets = [0, 704], sizes = [256, 64], strides = [1, 1]} : vector<256x768xf32> to vector<256x64xf32>
    %swap3A_1202 = arith.constant 11 : index
    %swap3A_1203 = arith.constant 0 : index
    %swap3A_1204 = arith.constant 0 : index
    %swap3A_1205 = vector.load %arg13[%swap3A_1202, %swap3A_1203, %swap3A_1204] : memref<12x256x64xf32, #tpu.memory_space<vmem>>, vector<1x256x64xf32>
    %swap3A_1206 = vector.shape_cast %swap3A_1205 : vector<1x256x64xf32> to vector<256x64xf32>
    %swap3A_1207 = vector.shape_cast %slice3A_1201 : vector<256x64xf32> to vector<1x256x64xf32>
    tpu.vector_store %arg13[%swap3A_1202, %swap3A_1203, %swap3A_1204], %swap3A_1207 {strides = array<i32>} : memref<12x256x64xf32, #tpu.memory_space<vmem>>, vector<1x256x64xf32>,
    %slice3A_1208 = vector.extract_strided_slice %mul3A_60 {offsets = [0, 704], sizes = [256, 64], strides = [1, 1]} : vector<256x768xf32> to vector<256x64xf32>
    %swap3A_1209 = arith.constant 11 : index
    %swap3A_1210 = arith.constant 0 : index
    %swap3A_1211 = arith.constant 0 : index
    %swap3A_1212 = vector.load %arg14[%swap3A_1209, %swap3A_1210, %swap3A_1211] : memref<12x256x64xf32, #tpu.memory_space<vmem>>, vector<1x256x64xf32>
    %swap3A_1213 = vector.shape_cast %swap3A_1212 : vector<1x256x64xf32> to vector<256x64xf32>
    %swap3A_1214 = vector.shape_cast %slice3A_1208 : vector<256x64xf32> to vector<1x256x64xf32>
    tpu.vector_store %arg14[%swap3A_1209, %swap3A_1210, %swap3A_1211], %swap3A_1214 {strides = array<i32>} : memref<12x256x64xf32, #tpu.memory_space<vmem>>, vector<1x256x64xf32>,
    return
  }
  func.func @transform_0(%arg0: i32) -> (i32, i32) {
    %c0_i32 = arith.constant 0 : i32
    %c0_i32_0 = arith.constant 0 : i32
    return %arg0, %c0_i32 : i32, i32
  }
  func.func @transform_1(%arg0: i32) -> (i32, i32) {
    %c0_i32 = arith.constant 0 : i32
    %c0_i32_0 = arith.constant 0 : i32
    %c0_i32_1 = arith.constant 0 : i32
    return %c0_i32, %c0_i32_0 : i32, i32
  }
  func.func @transform_2(%arg0: i32) -> (i32, i32) {
    %c0_i32 = arith.constant 0 : i32
    %c0_i32_0 = arith.constant 0 : i32
    %c0_i32_1 = arith.constant 0 : i32
    return %c0_i32, %c0_i32_0 : i32, i32
  }
  func.func @transform_3(%arg0: i32) -> (i32, i32) {
    %c0_i32 = arith.constant 0 : i32
    %c0_i32_0 = arith.constant 0 : i32
    %c0_i32_1 = arith.constant 0 : i32
    return %c0_i32, %c0_i32_0 : i32, i32
  }
  func.func @transform_4(%arg0: i32) -> (i32, i32) {
    %c0_i32 = arith.constant 0 : i32
    %c0_i32_0 = arith.constant 0 : i32
    %c0_i32_1 = arith.constant 0 : i32
    return %c0_i32, %c0_i32_0 : i32, i32
  }
  func.func @transform_5(%arg0: i32) -> (i32, i32) {
    %c0_i32 = arith.constant 0 : i32
    %c0_i32_0 = arith.constant 0 : i32
    %c0_i32_1 = arith.constant 0 : i32
    return %c0_i32, %c0_i32_0 : i32, i32
  }
  func.func @transform_6(%arg0: i32) -> (i32, i32) {
    %c0_i32 = arith.constant 0 : i32
    %c0_i32_0 = arith.constant 0 : i32
    %c0_i32_1 = arith.constant 0 : i32
    return %c0_i32, %c0_i32_0 : i32, i32
  }
  func.func @transform_7(%arg0: i32) -> (i32, i32) {
    %c0_i32 = arith.constant 0 : i32
    %c0_i32_0 = arith.constant 0 : i32
    %c0_i32_1 = arith.constant 0 : i32
    return %c0_i32, %c0_i32_0 : i32, i32
  }
  func.func @transform_8(%arg0: i32) -> (i32, i32) {
    %c0_i32 = arith.constant 0 : i32
    %c0_i32_0 = arith.constant 0 : i32
    %c0_i32_1 = arith.constant 0 : i32
    return %c0_i32, %c0_i32_0 : i32, i32
  }
  func.func @transform_9(%arg0: i32) -> (i32, i32) {
    %c0_i32 = arith.constant 0 : i32
    %c0_i32_0 = arith.constant 0 : i32
    return %arg0, %c0_i32 : i32, i32
  }
  func.func @transform_10(%arg0: i32) -> (i32, i32, i32) {
    %c0_i32 = arith.constant 0 : i32
    %c0_i32_0 = arith.constant 0 : i32
    %c0_i32_1 = arith.constant 0 : i32
    return %c0_i32, %arg0, %c0_i32_0 : i32, i32, i32
  }
  func.func @transform_11(%arg0: i32) -> (i32, i32, i32) {
    %c0_i32 = arith.constant 0 : i32
    %c0_i32_0 = arith.constant 0 : i32
    %c0_i32_1 = arith.constant 0 : i32
    return %c0_i32, %arg0, %c0_i32_0 : i32, i32, i32
  }
  func.func @transform_12(%arg0: i32) -> (i32, i32, i32) {
    %c0_i32 = arith.constant 0 : i32
    %c0_i32_0 = arith.constant 0 : i32
    %c0_i32_1 = arith.constant 0 : i32
    return %c0_i32, %arg0, %c0_i32_0 : i32, i32, i32
  }
  func.func @transform_13(%arg0: i32) -> (i32, i32, i32) {
    %c0_i32 = arith.constant 0 : i32
    %c0_i32_0 = arith.constant 0 : i32
    %c0_i32_1 = arith.constant 0 : i32
    return %c0_i32, %arg0, %c0_i32_0 : i32, i32, i32
  }
}

module attributes {stable_mosaic.version = 14 : i64} {
  func.func @_vq_body(%arg0: i32, %arg1: i32, %arg2: memref<1x2048x64xf32, #tpu.memory_space<vmem>>, %arg3: memref<1x512x64xf32, #tpu.memory_space<vmem>>, %arg4: memref<1x2048xf32, #tpu.memory_space<vmem>>, %arg5: memref<2048x1xf32, #tpu.memory_space<vmem>>, %arg6: memref<1x1x2048xi32, #tpu.memory_space<vmem>>, %arg7: memref<1x1x2048xf32, #tpu.memory_space<vmem>>, %arg8: memref<1x1x128xf32, #tpu.memory_space<vmem>>) attributes {dimension_semantics = [#tpu.dimension_semantics<arbitrary>, #tpu.dimension_semantics<arbitrary>], iteration_bounds = array<i64: 12, 16>, scalar_prefetch = 0 : i64, scratch_operands = 0 : i64, tpu.core_type = #tpu.core_type<tc>, window_params = [{transform_indices = @transform_0, window_bounds = array<i64: 1, 2048, 64>}, {transform_indices = @transform_1, window_bounds = array<i64: 1, 512, 64>}, {pipeline_mode = #tpu.pipeline_mode<synchronous>, transform_indices = @transform_2, window_bounds = array<i64: 1, 2048>}, {pipeline_mode = #tpu.pipeline_mode<synchronous>, transform_indices = @transform_3, window_bounds = array<i64: 2048, 1>}, {transform_indices = @transform_4, window_bounds = array<i64: 1, 1, 2048>}, {transform_indices = @transform_5, window_bounds = array<i64: 1, 1, 2048>}, {transform_indices = @transform_6, window_bounds = array<i64: 1, 1, 128>}]} {
    %get3A = arith.constant 0 : index
    %get3A_0 = arith.constant 0 : index
    %get3A_1 = arith.constant 0 : index
    %get3A_2 = vector.load %arg2[%get3A, %get3A_0, %get3A_1] : memref<1x2048x64xf32, #tpu.memory_space<vmem>>, vector<1x2048x64xf32>
    %get3A_3 = vector.shape_cast %get3A_2 : vector<1x2048x64xf32> to vector<2048x64xf32>
    %get3A_4 = arith.constant 0 : index
    %get3A_5 = arith.constant 0 : index
    %get3A_6 = arith.constant 0 : index
    %get3A_7 = vector.load %arg3[%get3A_4, %get3A_5, %get3A_6] : memref<1x512x64xf32, #tpu.memory_space<vmem>>, vector<1x512x64xf32>
    %get3A_8 = vector.shape_cast %get3A_7 : vector<1x512x64xf32> to vector<512x64xf32>
    %mul3A = arith.mulf %get3A_8, %get3A_8 : vector<512x64xf32>
    %reduce_sum3A = arith.constant dense<0.000000e+00> : vector<512xf32>
    %reduce_sum3A_9 = vector.multi_reduction <add>, %mul3A, %reduce_sum3A [1] : vector<512x64xf32> to vector<512xf32>
    %broadcast_in_dim3A = vector.shape_cast %reduce_sum3A_9 : vector<512xf32> to vector<512x1xf32>
    %convert_element_type3A = arith.truncf %broadcast_in_dim3A : vector<512x1xf32> to vector<512x1xbf16>
    %convert_element_type3A_10 = arith.extf %convert_element_type3A : vector<512x1xbf16> to vector<512x1xf32>
    %sub3A = arith.subf %broadcast_in_dim3A, %convert_element_type3A_10 : vector<512x1xf32>
    %mul3A_11 = arith.constant -2.000000e+00 : f32
    %mul3A_12 = vector.broadcast %mul3A_11 : f32 to vector<512x64xf32>
    %mul3A_13 = arith.mulf %get3A_8, %mul3A_12 : vector<512x64xf32>
    %concatenate3A = tpu.concatenate %mul3A_13, %convert_element_type3A_10, %sub3A in 1 : vector<512x64xf32>, vector<512x1xf32>, vector<512x1xf32> -> vector<512x66xf32>
    %broadcast_in_dim3A_14 = arith.constant 1.000000e+00 : f32
    %broadcast_in_dim3A_15 = vector.broadcast %broadcast_in_dim3A_14 : f32 to vector<2048x1xf32>
    %concatenate3A_16 = tpu.concatenate %get3A_3, %broadcast_in_dim3A_15, %broadcast_in_dim3A_15 in 1 : vector<2048x64xf32>, vector<2048x1xf32>, vector<2048x1xf32> -> vector<2048x66xf32>
    %convert_element_type3A_17 = arith.truncf %concatenate3A : vector<512x66xf32> to vector<512x66xbf16>
    %convert_element_type3A_18 = arith.truncf %concatenate3A_16 : vector<2048x66xf32> to vector<2048x66xbf16>
    %dot_general3A = arith.constant dense<0.000000e+00> : vector<512x2048xf32>
    %dot_general3A_19 = tpu.matmul %convert_element_type3A_17, %convert_element_type3A_18, %dot_general3A {dimension_numbers = #tpu.dot_dimension_numbers<[1], [1], [0], [0], [0, 0, 1, 0], [], []>, transpose_lhs_hint = false} : vector<512x66xbf16>, vector<2048x66xbf16>, vector<512x2048xf32> -> vector<512x2048xf32>
    %reduce_min3A = arith.constant dense<0x7F800000> : vector<2048xf32>
    %reduce_min3A_20 = vector.multi_reduction <minimumf>, %dot_general3A_19, %reduce_min3A [0] : vector<512x2048xf32> to vector<2048xf32>
    %broadcast_in_dim3A_21 = vector.shape_cast %reduce_min3A_20 : vector<2048xf32> to vector<1x2048xf32>
    %iota3A = tpu.iota {dimensions = array<i32: 0>} : vector<512x2048xi32>
    %eq3A = vector.broadcast %broadcast_in_dim3A_21 : vector<1x2048xf32> to vector<512x2048xf32>
    %eq3A_22 = arith.cmpf oeq, %dot_general3A_19, %eq3A : vector<512x2048xf32>
    %jit3A = arith.constant 8192 : i32
    %broadcast_in_dim3A_23 = vector.broadcast %jit3A : i32 to vector<512x2048xi32>
    %select_n3A = arith.select %eq3A_22, %iota3A, %broadcast_in_dim3A_23 : vector<512x2048xi1>, vector<512x2048xi32>
    %reduce_min3A_24 = arith.constant dense<2147483647> : vector<2048xi32>
    %reduce_min3A_25 = vector.multi_reduction <minsi>, %select_n3A, %reduce_min3A_24 [0] : vector<512x2048xi32> to vector<2048xi32>
    %broadcast_in_dim3A_26 = vector.shape_cast %reduce_min3A_25 : vector<2048xi32> to vector<1x2048xi32>
    %mul3A_27 = arith.constant 512 : i32
    %mul3A_28 = arith.muli %arg1, %mul3A_27 : i32
    %mul3A_29 = arith.constant 8192 : i32
    %mul3A_30 = arith.muli %arg0, %mul3A_29 : i32
    %add3A = arith.addi %mul3A_28, %mul3A_30 : i32
    %add3A_31 = vector.broadcast %add3A : i32 to vector<1x2048xi32>
    %add3A_32 = arith.addi %broadcast_in_dim3A_26, %add3A_31 : vector<1x2048xi32>
    %eq3A_33 = arith.constant 0 : i32
    %eq3A_34 = arith.cmpi eq, %arg1, %eq3A_33 : i32
    %convert_element_type3A_35 = arith.extui %eq3A_34 : i1 to i32
    %cond3A = arith.constant 0 : i32
    %cond3A_36 = arith.cmpi ne, %convert_element_type3A_35, %cond3A : i32
    scf.if %cond3A_36 {
      %swap3A = arith.constant 0 : index
      %swap3A_46 = arith.constant 0 : index
      %swap3A_47 = arith.constant 0 : index
      %swap3A_48 = vector.load %arg7[%swap3A, %swap3A_46, %swap3A_47] : memref<1x1x2048xf32, #tpu.memory_space<vmem>>, vector<1x1x2048xf32>
      %swap3A_49 = vector.shape_cast %swap3A_48 : vector<1x1x2048xf32> to vector<1x2048xf32>
      %swap3A_50 = vector.shape_cast %broadcast_in_dim3A_21 : vector<1x2048xf32> to vector<1x1x2048xf32>
      tpu.vector_store %arg7[%swap3A, %swap3A_46, %swap3A_47], %swap3A_50 {strides = array<i32>} : memref<1x1x2048xf32, #tpu.memory_space<vmem>>, vector<1x1x2048xf32>,
      %swap3A_51 = arith.constant 0 : index
      %swap3A_52 = arith.constant 0 : index
      %swap3A_53 = arith.constant 0 : index
      %swap3A_54 = vector.load %arg6[%swap3A_51, %swap3A_52, %swap3A_53] : memref<1x1x2048xi32, #tpu.memory_space<vmem>>, vector<1x1x2048xi32>
      %swap3A_55 = vector.shape_cast %swap3A_54 : vector<1x1x2048xi32> to vector<1x2048xi32>
      %swap3A_56 = vector.shape_cast %add3A_32 : vector<1x2048xi32> to vector<1x1x2048xi32>
      tpu.vector_store %arg6[%swap3A_51, %swap3A_52, %swap3A_53], %swap3A_56 {strides = array<i32>} : memref<1x1x2048xi32, #tpu.memory_space<vmem>>, vector<1x1x2048xi32>,
    } else {
    }
    %gt3A = arith.constant 0 : i32
    %gt3A_37 = arith.cmpi sgt, %arg1, %gt3A : i32
    %convert_element_type3A_38 = arith.extui %gt3A_37 : i1 to i32
    %cond3A_39 = arith.constant 0 : i32
    %cond3A_40 = arith.cmpi ne, %convert_element_type3A_38, %cond3A_39 : i32
    scf.if %cond3A_40 {
      %get3A_46 = arith.constant 0 : index
      %get3A_47 = arith.constant 0 : index
      %get3A_48 = arith.constant 0 : index
      %get3A_49 = vector.load %arg7[%get3A_46, %get3A_47, %get3A_48] : memref<1x1x2048xf32, #tpu.memory_space<vmem>>, vector<1x1x2048xf32>
      %get3A_50 = vector.shape_cast %get3A_49 : vector<1x1x2048xf32> to vector<1x2048xf32>
      %lt3A = arith.cmpf olt, %broadcast_in_dim3A_21, %get3A_50 : vector<1x2048xf32>
      %select_n3A_51 = arith.select %lt3A, %broadcast_in_dim3A_21, %get3A_50 : vector<1x2048xi1>, vector<1x2048xf32>
      %swap3A = arith.constant 0 : index
      %swap3A_52 = arith.constant 0 : index
      %swap3A_53 = arith.constant 0 : index
      %swap3A_54 = vector.load %arg7[%swap3A, %swap3A_52, %swap3A_53] : memref<1x1x2048xf32, #tpu.memory_space<vmem>>, vector<1x1x2048xf32>
      %swap3A_55 = vector.shape_cast %swap3A_54 : vector<1x1x2048xf32> to vector<1x2048xf32>
      %swap3A_56 = vector.shape_cast %select_n3A_51 : vector<1x2048xf32> to vector<1x1x2048xf32>
      tpu.vector_store %arg7[%swap3A, %swap3A_52, %swap3A_53], %swap3A_56 {strides = array<i32>} : memref<1x1x2048xf32, #tpu.memory_space<vmem>>, vector<1x1x2048xf32>,
      %get3A_57 = arith.constant 0 : index
      %get3A_58 = arith.constant 0 : index
      %get3A_59 = arith.constant 0 : index
      %get3A_60 = vector.load %arg6[%get3A_57, %get3A_58, %get3A_59] : memref<1x1x2048xi32, #tpu.memory_space<vmem>>, vector<1x1x2048xi32>
      %get3A_61 = vector.shape_cast %get3A_60 : vector<1x1x2048xi32> to vector<1x2048xi32>
      %select_n3A_62 = arith.select %lt3A, %add3A_32, %get3A_61 : vector<1x2048xi1>, vector<1x2048xi32>
      %swap3A_63 = arith.constant 0 : index
      %swap3A_64 = arith.constant 0 : index
      %swap3A_65 = arith.constant 0 : index
      %swap3A_66 = vector.load %arg6[%swap3A_63, %swap3A_64, %swap3A_65] : memref<1x1x2048xi32, #tpu.memory_space<vmem>>, vector<1x1x2048xi32>
      %swap3A_67 = vector.shape_cast %swap3A_66 : vector<1x1x2048xi32> to vector<1x2048xi32>
      %swap3A_68 = vector.shape_cast %select_n3A_62 : vector<1x2048xi32> to vector<1x1x2048xi32>
      tpu.vector_store %arg6[%swap3A_63, %swap3A_64, %swap3A_65], %swap3A_68 {strides = array<i32>} : memref<1x1x2048xi32, #tpu.memory_space<vmem>>, vector<1x1x2048xi32>,
    } else {
    }
    %eq3A_41 = arith.constant 15 : i32
    %eq3A_42 = arith.cmpi eq, %arg1, %eq3A_41 : i32
    %convert_element_type3A_43 = arith.extui %eq3A_42 : i1 to i32
    %cond3A_44 = arith.constant 0 : i32
    %cond3A_45 = arith.cmpi ne, %convert_element_type3A_43, %cond3A_44 : i32
    scf.if %cond3A_45 {
      %mul3A_46 = arith.mulf %get3A_3, %get3A_3 : vector<2048x64xf32>
      %get3A_47 = arith.constant 0 : index
      %get3A_48 = arith.constant 0 : index
      %get3A_49 = vector.load %arg5[%get3A_47, %get3A_48] : memref<2048x1xf32, #tpu.memory_space<vmem>>, vector<2048x1xf32>
      %mul3A_50 = vector.broadcast %get3A_49 : vector<2048x1xf32> to vector<2048x64xf32>
      %mul3A_51 = arith.mulf %mul3A_46, %mul3A_50 : vector<2048x64xf32>
      %reduce_sum3A_52 = vector.shape_cast %mul3A_51 : vector<2048x64xf32> to vector<1x2048x64xf32>
      %reduce_sum3A_53 = arith.constant dense<0.000000e+00> : vector<1xf32>
      %reduce_sum3A_54 = vector.multi_reduction <add>, %reduce_sum3A_52, %reduce_sum3A_53 [1, 2] : vector<1x2048x64xf32> to vector<1xf32>
      %reduce_sum3A_55 = vector.shape_cast %reduce_sum3A_54 : vector<1xf32> to vector<1x1x1xf32>
      %reduce_sum3A_56 = vector.extract %reduce_sum3A_55[0, 0, 0] : f32 from vector<1x1x1xf32>
      %get3A_57 = arith.constant 0 : index
      %get3A_58 = arith.constant 0 : index
      %get3A_59 = vector.load %arg4[%get3A_57, %get3A_58] : memref<1x2048xf32, #tpu.memory_space<vmem>>, vector<1x2048xf32>
      %get3A_60 = arith.constant 0 : index
      %get3A_61 = arith.constant 0 : index
      %get3A_62 = arith.constant 0 : index
      %get3A_63 = vector.load %arg7[%get3A_60, %get3A_61, %get3A_62] : memref<1x1x2048xf32, #tpu.memory_space<vmem>>, vector<1x1x2048xf32>
      %get3A_64 = vector.shape_cast %get3A_63 : vector<1x1x2048xf32> to vector<1x2048xf32>
      %mul3A_65 = arith.mulf %get3A_59, %get3A_64 : vector<1x2048xf32>
      %reduce_sum3A_66 = vector.shape_cast %mul3A_65 : vector<1x2048xf32> to vector<1x1x2048xf32>
      %reduce_sum3A_67 = arith.constant dense<0.000000e+00> : vector<1xf32>
      %reduce_sum3A_68 = vector.multi_reduction <add>, %reduce_sum3A_66, %reduce_sum3A_67 [1, 2] : vector<1x1x2048xf32> to vector<1xf32>
      %reduce_sum3A_69 = vector.shape_cast %reduce_sum3A_68 : vector<1xf32> to vector<1x1x1xf32>
      %reduce_sum3A_70 = vector.extract %reduce_sum3A_69[0, 0, 0] : f32 from vector<1x1x1xf32>
      %add3A_71 = arith.addf %reduce_sum3A_56, %reduce_sum3A_70 : f32
      %broadcast_in_dim3A_72 = vector.broadcast %add3A_71 : f32 to vector<1x128xf32>
      %swap3A = arith.constant 0 : index
      %swap3A_73 = arith.constant 0 : index
      %swap3A_74 = arith.constant 0 : index
      %swap3A_75 = vector.load %arg8[%swap3A, %swap3A_73, %swap3A_74] : memref<1x1x128xf32, #tpu.memory_space<vmem>>, vector<1x1x128xf32>
      %swap3A_76 = vector.shape_cast %swap3A_75 : vector<1x1x128xf32> to vector<1x128xf32>
      %swap3A_77 = vector.shape_cast %broadcast_in_dim3A_72 : vector<1x128xf32> to vector<1x1x128xf32>
      tpu.vector_store %arg8[%swap3A, %swap3A_73, %swap3A_74], %swap3A_77 {strides = array<i32>} : memref<1x1x128xf32, #tpu.memory_space<vmem>>, vector<1x1x128xf32>,
    } else {
    }
    return
  }
  func.func @transform_0(%arg0: i32, %arg1: i32) -> (i32, i32, i32) {
    %c0_i32 = arith.constant 0 : i32
    %c0_i32_0 = arith.constant 0 : i32
    %c0_i32_1 = arith.constant 0 : i32
    return %arg0, %c0_i32, %c0_i32_0 : i32, i32, i32
  }
  func.func @transform_1(%arg0: i32, %arg1: i32) -> (i32, i32, i32) {
    %c0_i32 = arith.constant 0 : i32
    %c0_i32_0 = arith.constant 0 : i32
    return %arg0, %arg1, %c0_i32 : i32, i32, i32
  }
  func.func @transform_2(%arg0: i32, %arg1: i32) -> (i32, i32) {
    %c0_i32 = arith.constant 0 : i32
    %c0_i32_0 = arith.constant 0 : i32
    %c0_i32_1 = arith.constant 0 : i32
    return %c0_i32, %c0_i32_0 : i32, i32
  }
  func.func @transform_3(%arg0: i32, %arg1: i32) -> (i32, i32) {
    %c0_i32 = arith.constant 0 : i32
    %c0_i32_0 = arith.constant 0 : i32
    %c0_i32_1 = arith.constant 0 : i32
    return %c0_i32, %c0_i32_0 : i32, i32
  }
  func.func @transform_4(%arg0: i32, %arg1: i32) -> (i32, i32, i32) {
    %c0_i32 = arith.constant 0 : i32
    %c0_i32_0 = arith.constant 0 : i32
    %c0_i32_1 = arith.constant 0 : i32
    return %arg0, %c0_i32, %c0_i32_0 : i32, i32, i32
  }
  func.func @transform_5(%arg0: i32, %arg1: i32) -> (i32, i32, i32) {
    %c0_i32 = arith.constant 0 : i32
    %c0_i32_0 = arith.constant 0 : i32
    %c0_i32_1 = arith.constant 0 : i32
    return %arg0, %c0_i32, %c0_i32_0 : i32, i32, i32
  }
  func.func @transform_6(%arg0: i32, %arg1: i32) -> (i32, i32, i32) {
    %c0_i32 = arith.constant 0 : i32
    %c0_i32_0 = arith.constant 0 : i32
    %c0_i32_1 = arith.constant 0 : i32
    return %arg0, %c0_i32, %c0_i32_0 : i32, i32, i32
  }
}

module attributes {stable_mosaic.version = 14 : i64} {
  func.func @_attn_body(%arg0: i32, %arg1: i32, %arg2: memref<256x768xf32, #tpu.memory_space<vmem>>, %arg3: memref<1x256x128xf32, #tpu.memory_space<vmem>>, %arg4: memref<1x2048x64xf32, #tpu.memory_space<vmem>>, %arg5: memref<2048x64xf32, #tpu.memory_space<vmem>>, %arg6: memref<1x2048x64xf32, #tpu.memory_space<vmem>>, %arg7: memref<1x256x64xf32, #tpu.memory_space<vmem>>, %arg8: memref<1x64x768xf32, #tpu.memory_space<vmem>>, %arg9: memref<256x768xf32, #tpu.memory_space<vmem>>) attributes {dimension_semantics = [#tpu.dimension_semantics<arbitrary>, #tpu.dimension_semantics<arbitrary>], iteration_bounds = array<i64: 8, 12>, scalar_prefetch = 0 : i64, scratch_operands = 0 : i64, tpu.core_type = #tpu.core_type<tc>, window_params = [{transform_indices = @transform_0, window_bounds = array<i64: 256, 768>}, {transform_indices = @transform_1, window_bounds = array<i64: 1, 256, 128>}, {transform_indices = @transform_2, window_bounds = array<i64: 1, 2048, 64>}, {pipeline_mode = #tpu.pipeline_mode<synchronous>, transform_indices = @transform_3, window_bounds = array<i64: 2048, 64>}, {transform_indices = @transform_4, window_bounds = array<i64: 1, 2048, 64>}, {transform_indices = @transform_5, window_bounds = array<i64: 1, 256, 64>}, {transform_indices = @transform_6, window_bounds = array<i64: 1, 64, 768>}, {transform_indices = @transform_7, window_bounds = array<i64: 256, 768>}]} {
    %get3A = arith.constant 0 : index
    %get3A_0 = arith.constant 0 : index
    %get3A_1 = arith.constant 0 : index
    %get3A_2 = vector.load %arg3[%get3A, %get3A_0, %get3A_1] : memref<1x256x128xf32, #tpu.memory_space<vmem>>, vector<1x256x128xf32>
    %get3A_3 = vector.shape_cast %get3A_2 : vector<1x256x128xf32> to vector<256x128xf32>
    %slice3A = vector.extract_strided_slice %get3A_3 {offsets = [0, 0], sizes = [256, 64], strides = [1, 1]} : vector<256x128xf32> to vector<256x64xf32>
    %slice3A_4 = vector.extract_strided_slice %get3A_3 {offsets = [0, 64], sizes = [256, 64], strides = [1, 1]} : vector<256x128xf32> to vector<256x64xf32>
    %broadcast_in_dim3A = arith.constant -1.000000e+30 : f32
    %broadcast_in_dim3A_5 = vector.broadcast %broadcast_in_dim3A : f32 to vector<256x1xf32>
    %broadcast_in_dim3A_6 = arith.constant 0.000000e+00 : f32
    %broadcast_in_dim3A_7 = vector.broadcast %broadcast_in_dim3A_6 : f32 to vector<256x1xf32>
    %broadcast_in_dim3A_8 = arith.constant 0.000000e+00 : f32
    %broadcast_in_dim3A_9 = vector.broadcast %broadcast_in_dim3A_8 : f32 to vector<256x64xf32>
    %add3A = arith.constant 1 : i32
    %add3A_10 = arith.addi %arg0, %add3A : i32
    %while3A = arith.constant 0 : i32
    %while3A_11 = arith.subi %add3A_10, %while3A : i32
    %while3A_12 = arith.addi %while3A, %while3A_11 : i32
    %while3A_13 = arith.constant 1 : i32
    %while3A_14 = arith.divsi %while3A_11, %while3A_13 : i32
    %while3A_15 = arith.muli %while3A_14, %while3A_13 : i32
    %while3A_16 = arith.addi %while3A, %while3A_15 : i32
    %while3A_17 = arith.constant 1 : i32
    %while3A_18:3 = scf.for %while3A_41 = %while3A to %while3A_16 step %while3A_17 iter_args(%while3A_42 = %broadcast_in_dim3A_5, %while3A_43 = %broadcast_in_dim3A_7, %while3A_44 = %broadcast_in_dim3A_9) -> (vector<256x1xf32>, vector<256x1xf32>, vector<256x64xf32>)  : i32 {
      %mul3A_45 = arith.constant 256 : i32
      %mul3A_46 = arith.muli %while3A_41, %mul3A_45 : i32
      %get3A_47 = arith.constant 0 : index
      %get3A_48 = arith.index_cast %mul3A_46 : i32 to index
      %get3A_49 = arith.constant 0 : index
      %get3A_50 = vector.load %arg4[%get3A_47, %get3A_48, %get3A_49] : memref<1x2048x64xf32, #tpu.memory_space<vmem>>, vector<1x256x64xf32>
      %get3A_51 = vector.shape_cast %get3A_50 : vector<1x256x64xf32> to vector<256x64xf32>
      %mul3A_52 = arith.constant 256 : i32
      %mul3A_53 = arith.muli %while3A_41, %mul3A_52 : i32
      %get3A_54 = arith.index_cast %mul3A_53 : i32 to index
      %get3A_55 = arith.constant 0 : index
      %get3A_56 = vector.load %arg5[%get3A_54, %get3A_55] : memref<2048x64xf32, #tpu.memory_space<vmem>>, vector<256x64xf32>
      %convert_element_type3A_57 = arith.truncf %slice3A : vector<256x64xf32> to vector<256x64xbf16>
      %convert_element_type3A_58 = arith.truncf %get3A_51 : vector<256x64xf32> to vector<256x64xbf16>
      %dot_general3A_59 = arith.constant dense<0.000000e+00> : vector<256x256xf32>
      %dot_general3A_60 = tpu.matmul %convert_element_type3A_57, %convert_element_type3A_58, %dot_general3A_59 {dimension_numbers = #tpu.dot_dimension_numbers<[1], [1], [0], [0], [0, 0, 1, 0], [], []>, transpose_lhs_hint = false} : vector<256x64xbf16>, vector<256x64xbf16>, vector<256x256xf32> -> vector<256x256xf32>
      %convert_element_type3A_61 = arith.truncf %slice3A_4 : vector<256x64xf32> to vector<256x64xbf16>
      %convert_element_type3A_62 = arith.truncf %get3A_56 : vector<256x64xf32> to vector<256x64xbf16>
      %dot_general3A_63 = arith.constant dense<0.000000e+00> : vector<256x256xf32>
      %dot_general3A_64 = tpu.matmul %convert_element_type3A_61, %convert_element_type3A_62, %dot_general3A_63 {dimension_numbers = #tpu.dot_dimension_numbers<[1], [1], [0], [0], [0, 0, 1, 0], [], []>, transpose_lhs_hint = false} : vector<256x64xbf16>, vector<256x64xbf16>, vector<256x256xf32> -> vector<256x256xf32>
      %add3A_65 = arith.addf %dot_general3A_60, %dot_general3A_64 : vector<256x256xf32>
      %mul3A_66 = arith.constant 256 : i32
      %mul3A_67 = arith.muli %arg0, %mul3A_66 : i32
      %iota3A = tpu.iota {dimensions = array<i32: 0>} : vector<256x256xi32>
      %add3A_68 = vector.broadcast %mul3A_67 : i32 to vector<256x256xi32>
      %add3A_69 = arith.addi %add3A_68, %iota3A : vector<256x256xi32>
      %mul3A_70 = arith.constant 256 : i32
      %mul3A_71 = arith.muli %while3A_41, %mul3A_70 : i32
      %iota3A_72 = tpu.iota {dimensions = array<i32: 1>} : vector<256x256xi32>
      %add3A_73 = vector.broadcast %mul3A_71 : i32 to vector<256x256xi32>
      %add3A_74 = arith.addi %add3A_73, %iota3A_72 : vector<256x256xi32>
      %le3A = arith.cmpi sle, %add3A_74, %add3A_69 : vector<256x256xi32>
      %jit3A = arith.constant -1.000000e+30 : f32
      %broadcast_in_dim3A_75 = vector.broadcast %jit3A : f32 to vector<256x256xf32>
      %select_n3A = arith.select %le3A, %add3A_65, %broadcast_in_dim3A_75 : vector<256x256xi1>, vector<256x256xf32>
      %reduce_max3A = arith.constant dense<0xFF800000> : vector<256xf32>
      %reduce_max3A_76 = vector.multi_reduction <maximumf>, %select_n3A, %reduce_max3A [1] : vector<256x256xf32> to vector<256xf32>
      %broadcast_in_dim3A_77 = vector.shape_cast %reduce_max3A_76 : vector<256xf32> to vector<256x1xf32>
      %max3A = arith.maximumf %while3A_42, %broadcast_in_dim3A_77 : vector<256x1xf32>
      %sub3A = arith.subf %while3A_42, %max3A : vector<256x1xf32>
      %exp3A = math.exp %sub3A : vector<256x1xf32>
      %sub3A_78 = vector.broadcast %max3A : vector<256x1xf32> to vector<256x256xf32>
      %sub3A_79 = arith.subf %select_n3A, %sub3A_78 : vector<256x256xf32>
      %exp3A_80 = math.exp %sub3A_79 : vector<256x256xf32>
      %mul3A_81 = arith.mulf %while3A_43, %exp3A : vector<256x1xf32>
      %reduce_sum3A = arith.constant dense<0.000000e+00> : vector<256xf32>
      %reduce_sum3A_82 = vector.multi_reduction <add>, %exp3A_80, %reduce_sum3A [1] : vector<256x256xf32> to vector<256xf32>
      %broadcast_in_dim3A_83 = vector.shape_cast %reduce_sum3A_82 : vector<256xf32> to vector<256x1xf32>
      %add3A_84 = arith.addf %mul3A_81, %broadcast_in_dim3A_83 : vector<256x1xf32>
      %mul3A_85 = vector.broadcast %exp3A : vector<256x1xf32> to vector<256x64xf32>
      %mul3A_86 = arith.mulf %while3A_44, %mul3A_85 : vector<256x64xf32>
      %mul3A_87 = arith.constant 256 : i32
      %mul3A_88 = arith.muli %while3A_41, %mul3A_87 : i32
      %get3A_89 = arith.constant 0 : index
      %get3A_90 = arith.index_cast %mul3A_88 : i32 to index
      %get3A_91 = arith.constant 0 : index
      %get3A_92 = vector.load %arg6[%get3A_89, %get3A_90, %get3A_91] : memref<1x2048x64xf32, #tpu.memory_space<vmem>>, vector<1x256x64xf32>
      %get3A_93 = vector.shape_cast %get3A_92 : vector<1x256x64xf32> to vector<256x64xf32>
      %convert_element_type3A_94 = arith.truncf %exp3A_80 : vector<256x256xf32> to vector<256x256xbf16>
      %convert_element_type3A_95 = arith.truncf %get3A_93 : vector<256x64xf32> to vector<256x64xbf16>
      %dot_general3A_96 = arith.constant dense<0.000000e+00> : vector<256x64xf32>
      %dot_general3A_97 = tpu.matmul %convert_element_type3A_94, %convert_element_type3A_95, %dot_general3A_96 {dimension_numbers = #tpu.dot_dimension_numbers<[1], [0], [0], [1], [0, 0, 1, 1], [], []>, transpose_lhs_hint = false} : vector<256x256xbf16>, vector<256x64xbf16>, vector<256x64xf32> -> vector<256x64xf32>
      %add3A_98 = arith.addf %mul3A_86, %dot_general3A_97 : vector<256x64xf32>
      scf.yield %max3A, %add3A_84, %add3A_98 : vector<256x1xf32>, vector<256x1xf32>, vector<256x64xf32>
    }
    %while3A_19 = arith.constant 1 : i32
    %while3A_20:3 = scf.for %while3A_41 = %while3A_16 to %while3A_12 step %while3A_19 iter_args(%while3A_42 = %while3A_18#0, %while3A_43 = %while3A_18#1, %while3A_44 = %while3A_18#2) -> (vector<256x1xf32>, vector<256x1xf32>, vector<256x64xf32>)  : i32 {
      %mul3A_45 = arith.constant 256 : i32
      %mul3A_46 = arith.muli %while3A_41, %mul3A_45 : i32
      %get3A_47 = arith.constant 0 : index
      %get3A_48 = arith.index_cast %mul3A_46 : i32 to index
      %get3A_49 = arith.constant 0 : index
      %get3A_50 = vector.load %arg4[%get3A_47, %get3A_48, %get3A_49] : memref<1x2048x64xf32, #tpu.memory_space<vmem>>, vector<1x256x64xf32>
      %get3A_51 = vector.shape_cast %get3A_50 : vector<1x256x64xf32> to vector<256x64xf32>
      %mul3A_52 = arith.constant 256 : i32
      %mul3A_53 = arith.muli %while3A_41, %mul3A_52 : i32
      %get3A_54 = arith.index_cast %mul3A_53 : i32 to index
      %get3A_55 = arith.constant 0 : index
      %get3A_56 = vector.load %arg5[%get3A_54, %get3A_55] : memref<2048x64xf32, #tpu.memory_space<vmem>>, vector<256x64xf32>
      %convert_element_type3A_57 = arith.truncf %slice3A : vector<256x64xf32> to vector<256x64xbf16>
      %convert_element_type3A_58 = arith.truncf %get3A_51 : vector<256x64xf32> to vector<256x64xbf16>
      %dot_general3A_59 = arith.constant dense<0.000000e+00> : vector<256x256xf32>
      %dot_general3A_60 = tpu.matmul %convert_element_type3A_57, %convert_element_type3A_58, %dot_general3A_59 {dimension_numbers = #tpu.dot_dimension_numbers<[1], [1], [0], [0], [0, 0, 1, 0], [], []>, transpose_lhs_hint = false} : vector<256x64xbf16>, vector<256x64xbf16>, vector<256x256xf32> -> vector<256x256xf32>
      %convert_element_type3A_61 = arith.truncf %slice3A_4 : vector<256x64xf32> to vector<256x64xbf16>
      %convert_element_type3A_62 = arith.truncf %get3A_56 : vector<256x64xf32> to vector<256x64xbf16>
      %dot_general3A_63 = arith.constant dense<0.000000e+00> : vector<256x256xf32>
      %dot_general3A_64 = tpu.matmul %convert_element_type3A_61, %convert_element_type3A_62, %dot_general3A_63 {dimension_numbers = #tpu.dot_dimension_numbers<[1], [1], [0], [0], [0, 0, 1, 0], [], []>, transpose_lhs_hint = false} : vector<256x64xbf16>, vector<256x64xbf16>, vector<256x256xf32> -> vector<256x256xf32>
      %add3A_65 = arith.addf %dot_general3A_60, %dot_general3A_64 : vector<256x256xf32>
      %mul3A_66 = arith.constant 256 : i32
      %mul3A_67 = arith.muli %arg0, %mul3A_66 : i32
      %iota3A = tpu.iota {dimensions = array<i32: 0>} : vector<256x256xi32>
      %add3A_68 = vector.broadcast %mul3A_67 : i32 to vector<256x256xi32>
      %add3A_69 = arith.addi %add3A_68, %iota3A : vector<256x256xi32>
      %mul3A_70 = arith.constant 256 : i32
      %mul3A_71 = arith.muli %while3A_41, %mul3A_70 : i32
      %iota3A_72 = tpu.iota {dimensions = array<i32: 1>} : vector<256x256xi32>
      %add3A_73 = vector.broadcast %mul3A_71 : i32 to vector<256x256xi32>
      %add3A_74 = arith.addi %add3A_73, %iota3A_72 : vector<256x256xi32>
      %le3A = arith.cmpi sle, %add3A_74, %add3A_69 : vector<256x256xi32>
      %jit3A = arith.constant -1.000000e+30 : f32
      %broadcast_in_dim3A_75 = vector.broadcast %jit3A : f32 to vector<256x256xf32>
      %select_n3A = arith.select %le3A, %add3A_65, %broadcast_in_dim3A_75 : vector<256x256xi1>, vector<256x256xf32>
      %reduce_max3A = arith.constant dense<0xFF800000> : vector<256xf32>
      %reduce_max3A_76 = vector.multi_reduction <maximumf>, %select_n3A, %reduce_max3A [1] : vector<256x256xf32> to vector<256xf32>
      %broadcast_in_dim3A_77 = vector.shape_cast %reduce_max3A_76 : vector<256xf32> to vector<256x1xf32>
      %max3A = arith.maximumf %while3A_42, %broadcast_in_dim3A_77 : vector<256x1xf32>
      %sub3A = arith.subf %while3A_42, %max3A : vector<256x1xf32>
      %exp3A = math.exp %sub3A : vector<256x1xf32>
      %sub3A_78 = vector.broadcast %max3A : vector<256x1xf32> to vector<256x256xf32>
      %sub3A_79 = arith.subf %select_n3A, %sub3A_78 : vector<256x256xf32>
      %exp3A_80 = math.exp %sub3A_79 : vector<256x256xf32>
      %mul3A_81 = arith.mulf %while3A_43, %exp3A : vector<256x1xf32>
      %reduce_sum3A = arith.constant dense<0.000000e+00> : vector<256xf32>
      %reduce_sum3A_82 = vector.multi_reduction <add>, %exp3A_80, %reduce_sum3A [1] : vector<256x256xf32> to vector<256xf32>
      %broadcast_in_dim3A_83 = vector.shape_cast %reduce_sum3A_82 : vector<256xf32> to vector<256x1xf32>
      %add3A_84 = arith.addf %mul3A_81, %broadcast_in_dim3A_83 : vector<256x1xf32>
      %mul3A_85 = vector.broadcast %exp3A : vector<256x1xf32> to vector<256x64xf32>
      %mul3A_86 = arith.mulf %while3A_44, %mul3A_85 : vector<256x64xf32>
      %mul3A_87 = arith.constant 256 : i32
      %mul3A_88 = arith.muli %while3A_41, %mul3A_87 : i32
      %get3A_89 = arith.constant 0 : index
      %get3A_90 = arith.index_cast %mul3A_88 : i32 to index
      %get3A_91 = arith.constant 0 : index
      %get3A_92 = vector.load %arg6[%get3A_89, %get3A_90, %get3A_91] : memref<1x2048x64xf32, #tpu.memory_space<vmem>>, vector<1x256x64xf32>
      %get3A_93 = vector.shape_cast %get3A_92 : vector<1x256x64xf32> to vector<256x64xf32>
      %convert_element_type3A_94 = arith.truncf %exp3A_80 : vector<256x256xf32> to vector<256x256xbf16>
      %convert_element_type3A_95 = arith.truncf %get3A_93 : vector<256x64xf32> to vector<256x64xbf16>
      %dot_general3A_96 = arith.constant dense<0.000000e+00> : vector<256x64xf32>
      %dot_general3A_97 = tpu.matmul %convert_element_type3A_94, %convert_element_type3A_95, %dot_general3A_96 {dimension_numbers = #tpu.dot_dimension_numbers<[1], [0], [0], [1], [0, 0, 1, 1], [], []>, transpose_lhs_hint = false} : vector<256x256xbf16>, vector<256x64xbf16>, vector<256x64xf32> -> vector<256x64xf32>
      %add3A_98 = arith.addf %mul3A_86, %dot_general3A_97 : vector<256x64xf32>
      scf.yield %max3A, %add3A_84, %add3A_98 : vector<256x1xf32>, vector<256x1xf32>, vector<256x64xf32>
    }
    %div3A = vector.broadcast %while3A_20#1 : vector<256x1xf32> to vector<256x64xf32>
    %div3A_21 = arith.divf %while3A_20#2, %div3A : vector<256x64xf32>
    %get3A_22 = arith.constant 0 : index
    %get3A_23 = arith.constant 0 : index
    %get3A_24 = arith.constant 0 : index
    %get3A_25 = vector.load %arg7[%get3A_22, %get3A_23, %get3A_24] : memref<1x256x64xf32, #tpu.memory_space<vmem>>, vector<1x256x64xf32>
    %get3A_26 = vector.shape_cast %get3A_25 : vector<1x256x64xf32> to vector<256x64xf32>
    %mul3A = arith.mulf %div3A_21, %get3A_26 : vector<256x64xf32>
    %get3A_27 = arith.constant 0 : index
    %get3A_28 = arith.constant 0 : index
    %get3A_29 = arith.constant 0 : index
    %get3A_30 = vector.load %arg8[%get3A_27, %get3A_28, %get3A_29] : memref<1x64x768xf32, #tpu.memory_space<vmem>>, vector<1x64x768xf32>
    %get3A_31 = vector.shape_cast %get3A_30 : vector<1x64x768xf32> to vector<64x768xf32>
    %convert_element_type3A = arith.truncf %mul3A : vector<256x64xf32> to vector<256x64xbf16>
    %convert_element_type3A_32 = arith.truncf %get3A_31 : vector<64x768xf32> to vector<64x768xbf16>
    %dot_general3A = arith.constant dense<0.000000e+00> : vector<256x768xf32>
    %dot_general3A_33 = tpu.matmul %convert_element_type3A, %convert_element_type3A_32, %dot_general3A {dimension_numbers = #tpu.dot_dimension_numbers<[1], [0], [0], [1], [0, 0, 1, 1], [], []>, transpose_lhs_hint = false} : vector<256x64xbf16>, vector<64x768xbf16>, vector<256x768xf32> -> vector<256x768xf32>
    %eq3A = arith.constant 0 : i32
    %eq3A_34 = arith.cmpi eq, %arg1, %eq3A : i32
    %convert_element_type3A_35 = arith.extui %eq3A_34 : i1 to i32
    %cond3A = arith.constant 0 : i32
    %cond3A_36 = arith.cmpi ne, %convert_element_type3A_35, %cond3A : i32
    scf.if %cond3A_36 {
      %get3A_41 = arith.constant 0 : index
      %get3A_42 = arith.constant 0 : index
      %get3A_43 = vector.load %arg2[%get3A_41, %get3A_42] : memref<256x768xf32, #tpu.memory_space<vmem>>, vector<256x768xf32>
      %add3A_44 = arith.addf %get3A_43, %dot_general3A_33 : vector<256x768xf32>
      %swap3A = arith.constant 0 : index
      %swap3A_45 = arith.constant 0 : index
      %swap3A_46 = vector.load %arg9[%swap3A, %swap3A_45] : memref<256x768xf32, #tpu.memory_space<vmem>>, vector<256x768xf32>
      tpu.vector_store %arg9[%swap3A, %swap3A_45], %add3A_44 {strides = array<i32>} : memref<256x768xf32, #tpu.memory_space<vmem>>, vector<256x768xf32>,
    } else {
    }
    %gt3A = arith.constant 0 : i32
    %gt3A_37 = arith.cmpi sgt, %arg1, %gt3A : i32
    %convert_element_type3A_38 = arith.extui %gt3A_37 : i1 to i32
    %cond3A_39 = arith.constant 0 : i32
    %cond3A_40 = arith.cmpi ne, %convert_element_type3A_38, %cond3A_39 : i32
    scf.if %cond3A_40 {
      %get3A_41 = arith.constant 0 : index
      %get3A_42 = arith.constant 0 : index
      %get3A_43 = vector.load %arg9[%get3A_41, %get3A_42] : memref<256x768xf32, #tpu.memory_space<vmem>>, vector<256x768xf32>
      %add3A_44 = arith.addf %get3A_43, %dot_general3A_33 : vector<256x768xf32>
      %swap3A = arith.constant 0 : index
      %swap3A_45 = arith.constant 0 : index
      %swap3A_46 = vector.load %arg9[%swap3A, %swap3A_45] : memref<256x768xf32, #tpu.memory_space<vmem>>, vector<256x768xf32>
      tpu.vector_store %arg9[%swap3A, %swap3A_45], %add3A_44 {strides = array<i32>} : memref<256x768xf32, #tpu.memory_space<vmem>>, vector<256x768xf32>,
    } else {
    }
    return
  }
  func.func @transform_0(%arg0: i32, %arg1: i32) -> (i32, i32) {
    %c0_i32 = arith.constant 0 : i32
    %c0_i32_0 = arith.constant 0 : i32
    return %arg0, %c0_i32 : i32, i32
  }
  func.func @transform_1(%arg0: i32, %arg1: i32) -> (i32, i32, i32) {
    %c0_i32 = arith.constant 0 : i32
    %c0_i32_0 = arith.constant 0 : i32
    return %arg1, %arg0, %c0_i32 : i32, i32, i32
  }
  func.func @transform_2(%arg0: i32, %arg1: i32) -> (i32, i32, i32) {
    %c0_i32 = arith.constant 0 : i32
    %c0_i32_0 = arith.constant 0 : i32
    %c0_i32_1 = arith.constant 0 : i32
    return %arg1, %c0_i32, %c0_i32_0 : i32, i32, i32
  }
  func.func @transform_3(%arg0: i32, %arg1: i32) -> (i32, i32) {
    %c0_i32 = arith.constant 0 : i32
    %c0_i32_0 = arith.constant 0 : i32
    %c0_i32_1 = arith.constant 0 : i32
    return %c0_i32, %c0_i32_0 : i32, i32
  }
  func.func @transform_4(%arg0: i32, %arg1: i32) -> (i32, i32, i32) {
    %c0_i32 = arith.constant 0 : i32
    %c0_i32_0 = arith.constant 0 : i32
    %c0_i32_1 = arith.constant 0 : i32
    return %arg1, %c0_i32, %c0_i32_0 : i32, i32, i32
  }
  func.func @transform_5(%arg0: i32, %arg1: i32) -> (i32, i32, i32) {
    %c0_i32 = arith.constant 0 : i32
    %c0_i32_0 = arith.constant 0 : i32
    return %arg1, %arg0, %c0_i32 : i32, i32, i32
  }
  func.func @transform_6(%arg0: i32, %arg1: i32) -> (i32, i32, i32) {
    %c0_i32 = arith.constant 0 : i32
    %c0_i32_0 = arith.constant 0 : i32
    %c0_i32_1 = arith.constant 0 : i32
    return %arg1, %c0_i32, %c0_i32_0 : i32, i32, i32
  }
  func.func @transform_7(%arg0: i32, %arg1: i32) -> (i32, i32) {
    %c0_i32 = arith.constant 0 : i32
    %c0_i32_0 = arith.constant 0 : i32
    return %arg0, %c0_i32 : i32, i32
  }
}

</mosaic_0001>

<sc_bundles>
// kernel: kernel.6.cloned.1.call-start
scs
__scs_entry_jumppad:
0x0: {  	(pc) =	sbr.rel $0x88, $3  }
0x1: {  	(tag) =	ssettag $0x0;
	lr =	simm.s32 $0x1  }
0x2: {  	[smem:$0x3F95] =	sst lr;
	_ =	strace $0xD0000000  }
0x3: {  	_ = 	snop  }
0x4: {  	_ = 	snop  }
0x5: {  	_ = 	snop  }
0x6: {  	_ = 	snop  }
0x7: {  	_ = 	snop  }
__scs_overlays_trampoline_lowered:
0x8: {  	[smem:$0x3FA4] =	sst s0  }
0x9: {  	[smem:$0x3FA5] =	sst s1  }
0xa: {  	[smem:$0x3FA6] =	sst s2  }
0xb: {  	[smem:$0x3FA7] =	sst s3  }
0xc: {  	[smem:$0x3FA8] =	sst s4  }
0xd: {  	[smem:$0x3FA9] =	sst s5  }
0xe: {  	[smem:$0x3FAA] =	sst s6  }
0xf: {  	[smem:$0x3FAB] =	sst s7  }
0x10: {  	[smem:$0x3FAC] =	sst s8  }
0x11: {  	[smem:$0x3FAD] =	sst s9;
	s0 =	simm.s32 @!p0 $0x0  }
0x12: {  	s1 =	sld [smem:$0x3F93];
	s0 =	simm.s32 @p0 $0x1  }
0x13: {  	[smem:$0x3FAE] =	sst s0;
	s0 =	simm.s32 @!p1 $0x0  }
0x14: {  	s2 =	sld [smem:$0x3F92];
	s0 =	simm.s32 @p1 $0x1  }
0x15: {  	[smem:$0x3FAF] =	sst s0;
	s0 =	simm.s32 @!p2 $0x0  }
0x16: {  	s3 =	sld [smem:$0x3FDB];
	s0 =	simm.s32 @p2 $0x1  }
0x17: {  	s4 =	simm.s32 $0x1BF5;
	[smem:$0x3FB1] =	sst s0  }
0x18: {  	s0 =	sld [smem:$0x3F94];
	_ =	swait.ge [sflag:s4], $0x0  }
0x19: {  	s7 =	sld [smem:$0x3F95]  }
0x1a: {  	s8 =	sadd.s32 $0xFFFFE003, lr  }
0x1b: {  	s9 =	sadd.s32 $0xFFFFFEF7, lr;
	s5 =	simm.s32 $0xFFFFFFFF;
	p2 =	slt.u32 s8, $0xFFFFF086  }
0x1c: {  	p1 =	slt.u32 s9, $0xF7A;
	s5 =	simm.s32 @!p2 $0x0  }
0x1d: {  	s5 =	simm.s32 @p1 $0x1;
	p0 =	seq.s32 s7, s2  }
0x1e: {  	s7 =	smul.u32 @!p0 $0xF7A, s2;
	p2 =	seq.s32 @!p0 s5, $0x0  }
0x1f: {  	s9 =	smul.u32 $0xF7A, s1;
	s8 =	simm.s32 @!p0 $0x1BF5;
	p2 =	por !p2, p0  }
0x20: {  	[sflag:s8] =	ssyncset.s32 @!p0 $0xFFFFF086;
	s6 =	sadd.s32 @!p0 s3, s7;
	s7 =	simm.s32 @!p0 $0x108  }
0x21: {  	s3 =	sadd.s32 s3, s9;
	s6 =	sadd.s32 @!p0 $0x88, s6;
	s7 =	simm.s32 @p2 $0x1082  }
0x22: {  	[simem:s7], [sflag:s8] =	dma.local @!p0 [hbm:s6], $0xF7A  }
0x23: {  	s9 =	sor.u32 $0xD0000000, s2;
	s6 =	simm.s32 $0x108;
	_ =	swait.ge @!p0 [sflag:s8], $0x0  }
0x24: {  	s3 =	sadd.s32 $0x88, s3;
	s6 =	simm.s32 @!p1 $0x1082;
	[sflag:s4] =	ssyncset.s32 $0xFFFFF086  }
0x25: {  	[simem:s6], [sflag:s4] =	dma.local [hbm:s3], $0xF7A  }
0x26: {  	[smem:$0x3F95] =	sst s1;
	(tag) =	ssettag s2;
	_ =	strace s9  }
0x27: {  	s1 =	sld [smem:$0x3FA5]  }
0x28: {  	s2 =	sld [smem:$0x3FA6]  }
0x29: {  	s4 =	sld [smem:$0x3FA8]  }
0x2a: {  	p0 =	seq.s32 s5, $0x0;
	s5 =	sld [smem:$0x3FA9]  }
0x2b: {  	s6 =	sld [smem:$0x3FAA]  }
0x2c: {  	s7 =	sld [smem:$0x3FAB]  }
0x2d: {  	s3 =	simm.s32 $0x108;
	s8 =	sld [smem:$0x3FAC]  }
0x2e: {  	s3 =	simm.s32 @!p0 $0x1082;
	s9 =	sld [smem:$0x3FAD]  }
0x2f: {  	lr =	sadd.s32 s0, s3;
	s0 =	sld [smem:$0x3FA4]  }
0x30: {  	s3 =	sld [smem:$0x3FA7]  }
0x31: {  	[smem:$0x3FB0] =	sst s10  }
0x32: {  	s10 =	sld [smem:$0x3FAE];
	_ =	sdelay $0x3  }
0x33: {  	p0 =	seq.s32 s10, $0x1;
	s10 =	sld [smem:$0x3FB0];
	_ =	sdelay $0x3  }
0x34: {  	[smem:$0x3FB0] =	sst s10  }
0x35: {  	s10 =	sld [smem:$0x3FAF];
	_ =	sdelay $0x3  }
0x36: {  	p1 =	seq.s32 s10, $0x1;
	s10 =	sld [smem:$0x3FB0];
	_ =	sdelay $0x3  }
0x37: {  	[smem:$0x3FB0] =	sst s10  }
0x38: {  	s10 =	sld [smem:$0x3FB1]  }
0x39: {  	_ = 	snop;
	(pc) =	sbr.ind lr, $3  }
0x3a: {  	_ = 	snop  }
0x3b: {  	_ = 	snop  }
0x3c: {  	p2 =	seq.s32 s10, $0x1;
	s10 =	sld [smem:$0x3FB0]  }
0x3d: {  	_ =	shalt  }
0x3e: {  	_ =	shalt  }
0x3f: {  	_ =	shalt  }
0x40: {  	_ =	shalt  }
0x41: {  	_ =	shalt  }
0x42: {  	_ =	shalt  }
0x43: {  	_ =	shalt  }
0x44: {  	_ =	shalt  }
0x45: {  	_ =	shalt  }
0x46: {  	_ =	shalt  }
0x47: {  	_ =	shalt  }
0x48: {  	_ =	shalt  }
0x49: {  	_ =	shalt  }
0x4a: {  	_ =	shalt  }
0x4b: {  	_ =	shalt  }
0x4c: {  	_ =	shalt  }
0x4d: {  	_ =	shalt  }
0x4e: {  	_ =	shalt  }
0x4f: {  	_ =	shalt  }
0x50: {  	_ =	shalt  }
0x51: {  	_ =	shalt  }
0x52: {  	_ =	shalt  }
0x53: {  	_ =	shalt  }
0x54: {  	_ =	shalt  }
0x55: {  	_ =	shalt  }
0x56: {  	_ =	shalt  }
0x57: {  	_ =	shalt  }
0x58: {  	_ =	shalt  }
0x59: {  	_ =	shalt  }
0x5a: {  	_ =	shalt  }
0x5b: {  	_ =	shalt  }
0x5c: {  	_ =	shalt  }
0x5d: {  	_ =	shalt  }
0x5e: {  	_ =	shalt  }
0x5f: {  	_ =	shalt  }
0x60: {  	_ =	shalt  }
0x61: {  	_ =	shalt  }
0x62: {  	_ =	shalt  }
0x63: {  	_ =	shalt  }
0x64: {  	_ =	shalt  }
0x65: {  	_ =	shalt  }
0x66: {  	_ =	shalt  }
0x67: {  	_ =	shalt  }
0x68: {  	_ =	shalt  }
0x69: {  	_ =	shalt  }
0x6a: {  	_ =	shalt  }
0x6b: {  	_ =	shalt  }
0x6c: {  	_ =	shalt  }
0x6d: {  	_ =	shalt  }
0x6e: {  	_ =	shalt  }
0x6f: {  	_ =	shalt  }
0x70: {  	_ =	shalt  }
0x71: {  	_ =	shalt  }
0x72: {  	_ =	shalt  }
0x73: {  	_ =	shalt  }
0x74: {  	_ =	shalt  }
0x75: {  	_ =	shalt  }
0x76: {  	_ =	shalt  }
0x77: {  	_ =	shalt  }
0x78: {  	_ =	shalt  }
0x79: {  	_ =	shalt  }
0x7a: {  	_ =	shalt  }
0x7b: {  	_ =	shalt  }
0x7c: {  	_ =	shalt  }
0x7d: {  	_ =	shalt  }
0x7e: {  	_ =	shalt  }
0x7f: {  	_ =	shalt  }
0x80: {  	_ =	shalt  }
0x81: {  	_ =	shalt  }
0x82: {  	_ =	shalt  }
0x83: {  	_ =	shalt  }
0x84: {  	_ =	shalt  }
0x85: {  	_ =	shalt  }
0x86: {  	_ =	shalt  }
0x87: {  	_ =	shalt  }
.Lfunc_end0:
.L_simem_size_0:
called_computation_lowered:
.L_overlay_start_0:
0x88: {  	s2 =	sld [smem:$0x3FD9]  }
0x89: {  	s3 =	sld [smem:$0x3FFE];
	_ =	sdelay $0x1  }
0x8a: {  	s1 =	srdreg.scid  }
0x8b: {  	s0 =	sand.u32 $0x1, s1  }
0x8c: {  	s14 =	sshll.u32 s0, $0xA;
	s2 =	sadd.s32 s3, s2  }
0x8d: {  	s2 =	sadd.s32 s2, s14  }
0x8e: {  	[smem:$0x3FBC] =	sst s2  }
0x8f: {  	_ = 	snop  }
0x90: {  	s2 =	sld [smem:$0x3FD0];
	_ =	sdelay $0x2  }
0x91: {  	s15 =	simm.s32 $0xA;
	s4 =	simm.s32 $0x10  }
0x92: {  	[smem:s4], [sflag:s15] =	dma.local [hbm:s2], $0x1  }
0x93: {  	_ =	swait.eq [sflag:s15], $0x1  }
0x94: {  	[sflag:s15] =	ssyncset.done $0x0  }
0x95: {  	[sflag:s15] =	ssyncadd.s32 $0xFFFFFFFF  }
0x96: {  	s16 =	sld [smem:$0x10];
	(tm) =	ssettm $0x1  }
0x97: {  	s17 =	sld [smem:$0x3FFB];
	_ =	sdelay $0x3  }
0x98: {  	_ =	strace s17  }
0x99: {  	s3 =	sld [smem:$0x3FFC];
	_ =	sdelay $0x3  }
0x9a: {  	_ =	strace s3  }
0x9b: {  	s3 =	sld [smem:$0x3FFD];
	_ =	sdelay $0x3  }
0x9c: {  	_ =	strace s3  }
0x9d: {  	_ =	strace $0x8FFFFFFF  }
0x9e: {  	s18 =	sld [smem:$0x3FDB];
	_ =	sdelay $0x1  }
0x9f: {  	s19 =	simm.s32 $_scs_section_size  }
0xa0: {  	s5 =	simm.s32 $_size__tile_overlayer_lowered;
	s6 =	simm.s32 $_tile_overlayer_lowered  }
0xa1: {  	s22 =	simm.s32 $0x1BFF;
	s21 =	sshll.u32 s6, $0x1;
	s3 =	sadd.s32 s19, s18  }
0xa2: {  	s7 =	simm.s32 $0x0;
	s20 =	sshll.u32 s5, $0x1;
	s5 =	sadd.s32 s21, s3  }
0xa3: {  	[timem:s7], [sflag:s22] =	dma.local [hbm:s5], s20  }
0xa4: {  	_ =	swait.ge [sflag:s22], s20  }
0xa5: {  	s4 =	ssub.s32 $0x0, s20;
	[sflag:s22] =	ssyncset.done $0x0  }
0xa6: {  	[sflag:s22] =	ssyncadd.s32 s4;
	_ =	sdelay $0x1  }
0xa7: {  	s23 =	simm.s32 $0x1B8B  }
0xa8: {  	_ =	swait.ge [sflag:s23], $0x1  }
0xa9: {  	[sflag:s23] =	ssyncset.done $0x0  }
0xaa: {  	s25 =	simm.s32 $0x1B8E;
	s24 =	sld [smem:$0x3FFE];
	[sflag:s23] =	ssyncadd.s32 $0xFFFFFFFF  }
0xab: {  	s26 =	simm.s32 $execute0_lowered;
	[smem:$0x3FD2] =	sst s25  }
0xac: {  	s5 =	sshll.u32 s26, $0x1;
	_ =	strace $0x80000046;
	[dreg:$0x1] =	wrdreg $0xFFFFFFFF  }
0xad: {  	s28 =	simm.s32 $_size_execute0_lowered;
	s3 =	sadd.s32 s3, s5;
	[dreg:$0x0] =	wrdreg $0x0  }
0xae: {  	s5 =	sshll.u32 s28, $0x1;
	[dreg:$0x2] =	wrdreg s3  }
0xaf: {  	[dreg:$0x3] =	wrdreg s5  }
0xb0: {  	[dreg:$0x4] =	wrdreg $0xC0  }
0xb1: {  	_ =	task [dreg:s7], $0x5FFFF  }
0xb2: {  	[dreg:$0x1] =	wrdreg $0xFFFFFFFF  }
0xb3: {  	[dreg:$0x0] =	wrdreg $0x60  }
0xb4: {  	[dreg:$0x2] =	wrdreg s24  }
0xb5: {  	[dreg:$0x3] =	wrdreg s16  }
0xb6: {  	[dreg:$0x4] =	wrdreg $0x9  }
0xb7: {  	_ =	task.clear_ibuf [dreg:s7], $0x5FFFF;
	_ =	strace $0x90000046  }
0xb8: {  	s29 =	simm.s32 $0x9;
	_ =	strace $0x80000048  }
0xb9: {  	_ =	swait.ge [sflag:s29], $0x1  }
0xba: {  	[sflag:s29] =	ssyncadd.s32 $0xFFFFFFFF  }
0xbb: {  	_ =	strace $0x90000048  }
0xbc: {  	_ =	sfence  }
0xbd: {  	s30 =	sld [smem:$0x0];
	_ =	sdelay $0x2  }
0xbe: {  	s31 =	sshll.u32 s1, $0xD;
	s1 =	sshrl.u32 s1, $0x2  }
0xbf: {  	s3 =	sand.u32 $0x4000, s31;
	s1 =	sadd.s32 s1, s30  }
0xc0: {  	s0 =	sor.u32 s3, s0;
	s1 =	sshll.u32 s1, $0x11  }
0xc1: {  	s0 =	sor.u32 s1, s0  }
0xc2: {  	s0 =	sadd.s32 $0x8F2B, s0  }
0xc3: {  	[sflag:s0] =	ssyncadd.remote.s32 $0x1  }
0xc4: {  	_ =	sfence.sel $0xFFFF  }
0xc5: {  	[dreg:$0x0] =	wrdreg $0xFFFFFFFF;
	(pc) =	sbr.abs _section_cstart, $3  }
0xc6: {  	[dreg:$0x1] =	wrdreg $0xFFFFFFFF  }
0xc7: {  	_ =	task.clear_ibuf [dreg:s7], $0x2FFFF;
	_ =	strace $0x9FFFFFFF  }
0xc8: {  	(tm) =	ssettm $0x7FFFFFFF  }
0xc9: {  	_ =	shalt  }
tec
execute0_lowered:
.L_overlay_start_1:
0x0: {  	(tag) =	ssettag $0x1  }
0x1: {  	s1 =	srdreg.scid;
	s0 =	stileid.u32  }
0x2: {  	s6 =	sand.u32 $0x1, s1;
	s30 =	sshll.u32 s0, $0x1  }
0x3: {  	s5 =	rddreg [dreg:$0x0];
	s8 =	sor.u32 s6, s30  }
0x4: {  	s9 =	rddreg [dreg:$0x1];
	s2 =	simm.s32 $0x0;
	s3 =	smul.u32 $0x60, s8  }
0x5: {  	[smem:$0x7FF] =	sst s2  }
0x6: {  	s1 =	rddreg [dreg:$0x2];
	_ =	strace $0x80000047;
	s3 =	sadd.s32 s3, s5  }
0x7: {  	s10 =	ssub.s32 $0x2, s6;
	s4 =	sadd.s32 $0x243000, s3;
	s3 =	simm.s32 $0x2  }
0x8: {  	[tilespmem:s2], [sflag:$0x2] =	stream.linear.gather [hbm4b:s4+s2], $0x300, $0x38;
	[tilespmem:$0xC300] =	vst v63  }
0x9: {  	s7 =	simm.s32 $0x1;
	s11 =	sshrl.u32 s10, $0x1;
	_ =	swait.ge [sflag:s3], $0x300  }
0xa: {  	s6 =	simm.s32 $0x300;
	s10 =	ssub.s32 s10, s11;
	[sflag:s3] =	ssyncset.done $0x0  }
0xb: {  	s5 =	sadd.s32 $0x183000, s5;
	s31 =	smax.u32 s10, $0x1;
	[sflag:s3] =	ssyncadd.s32 $0xFFFFFD00  }
0xc: {  	[tilespmem:s6], [sflag:$0x1] =	stream.indirect.gather [hbm4b:s5+s6], $0x40, s2, s6, $0xb8;
	[tilespmem:$0xC300] =	vst v63  }
0xd: {  	s8 =	smul.u32 $0x1800, s8;
	p0 =	sne.s32 s31, $0x1;
	_ =	swait.ge [sflag:s7], $0xC000  }
.Ltmp0:
0xe: {  	[sflag:s7] =	ssyncset.done $0x0;
	(pc) =	sbr.rel @!p0 .LBB2_2-.Ltmp0, $4  }
0xf: {  	s8 =	sadd.s32 s9, s8;
	[sflag:s7] =	ssyncadd.s32 $0xFFFF4000  }
0x10: {  	[hbm4b:s8+s2] =	stream.linear.scatter [tilespmem:s6], [sflag:$0x2], $0xC000, $0x38;
	[tilespmem:$0xC300] =	vst v63  }
0x11: {  	_ =	swait.ge [sflag:s3], $0xC000  }
0x12: {  	s9 =	sadd.s32 $0xFFFFFFFF, s31;
	[sflag:s3] =	ssyncset.done $0x0  }
.LBB2_1:
0x13: {  	p0 =	sne.s32 s9, $0x1;
	s9 =	sadd.s32 $0xFFFFFFFF, s9;
	[sflag:s3] =	ssyncadd.s32 $0xFFFF4000  }
0x14: {  	[tilespmem:s2], [sflag:$0x2] =	stream.linear.gather [hbm4b:s4+s2], $0x300, $0x38;
	[tilespmem:$0xC300] =	vst v63  }
0x15: {  	_ =	swait.ge [sflag:s3], $0x300  }
0x16: {  	[sflag:s3] =	ssyncset.done $0x0  }
0x17: {  	[sflag:s3] =	ssyncadd.s32 $0xFFFFFD00  }
0x18: {  	[tilespmem:s6], [sflag:$0x1] =	stream.indirect.gather [hbm4b:s5+s6], $0x40, s2, s6, $0xb8;
	[tilespmem:$0xC300] =	vst v63  }
0x19: {  	_ =	swait.ge [sflag:s7], $0xC000  }
.Ltmp1:
0x1a: {  	[sflag:s7] =	ssyncset.done $0x0;
	(pc) =	sbr.rel @p0 .LBB2_1-.Ltmp1, $4  }
0x1b: {  	[sflag:s7] =	ssyncadd.s32 $0xFFFF4000  }
0x1c: {  	[hbm4b:s8+s2] =	stream.linear.scatter [tilespmem:s6], [sflag:$0x2], $0xC000, $0x38;
	[tilespmem:$0xC300] =	vst v63  }
0x1d: {  	_ =	swait.ge [sflag:s3], $0xC000  }
0x1e: {  	[sflag:s3] =	ssyncset.done $0x0  }
.LBB2_2:
0x1f: {  	[sflag:s3] =	ssyncadd.s32 $0xFFFF4000  }
0x20: {  	_ =	sfence.sel $0x180000  }
0x21: {  	[bflag:$0x0] =	sbarrier.arrive $0xFFFF  }
0x22: {  	p0 =	sne.s32 s0, $0x0;
	_ =	strace $0x90000047  }
0x23: {  	s0 =	sadd.s32 @!p0 $0x100000, s1;
	[bflag:$0x2] =	sbarrier.arrive $0xFFFF  }
0x24: {  	[sflag:s0] =	ssyncadd.tile.s32 @!p0 $0x1;
	_ =	shalt  }
.Lfunc_end2:
_tile_overlayer_lowered:
.L_overlay_start_2:
0x25: {  	(tag) =	ssettag $0x2  }
0x26: {  	s0 =	rddreg [dreg:$0x0];
	s2 =	stileid.u32  }
0x27: {  	s1 =	rddreg [dreg:$0x1];
	p0 =	sne.s32 s2, $0x0  }
0x28: {  	s3 =	rddreg [dreg:$0x2];
	[bflag:$0x3] =	sbarrier.arrive $0xFFFF;
	s2 =	simm.s32 @!p0 $0x1C02  }
0x29: {  	[timem:s3], [sflag:s2] =	dma.local @!p0 [hbm:s0], s1  }
0x2a: {  	s0 =	simm.s32 @!p0 $0x2  }
0x2b: {  	_ =	swait.ge @!p0 [sflag:s0], s1  }
0x2c: {  	s1 =	ssub.s32 @!p0 $0x0, s1;
	[sflag:s0] =	ssyncset.done @!p0 $0x0  }
0x2d: {  	[sflag:s0] =	ssyncadd.s32 @!p0 s1  }
0x2e: {  	[bflag:$0x3] =	sbarrier.arrive $0xFFFF  }
0x2f: {  	_ =	shalt  }

</sc_bundles>
